<compile_context>
chip_gen: v7x
topology: tpu7x:2x2x1
jax: 0.10.2.dev20260603
libtpu: 0.0.44.dev20260713+nightly
codegen_flags: <defaults>
</compile_context>

<pallas_src>
import functools

import jax
import jax.numpy as jnp
from jax import lax
from jax.experimental import pallas as pl
from jax.experimental.pallas import tpu as pltpu
from jax.experimental.pallas import tpu_sc as plsc

NC = 2
NS = 16
NW = NC * NS
LANES = 16
CB = 128

_mesh = plsc.VectorSubcoreMesh(
    core_axis_name="c", subcore_axis_name="s", num_cores=NC, num_subcores=NS)



def _deg_body(n_pad, nchunk, dst_hbm, out_hbm, dst_v, hist_v):
    c = lax.axis_index("c")
    s = lax.axis_index("s")
    wid = s * NC + c

    def zero(i, _):
        hist_v[pl.ds(i * LANES, LANES)] = jnp.zeros((LANES,), jnp.float32)
        return 0
    lax.fori_loop(0, n_pad // LANES, zero, 0)

    pltpu.sync_copy(dst_hbm.at[pl.ds(wid * nchunk, nchunk)], dst_v)

    unroll = 4
    vregs_per_row = CB // LANES

    def acc(i, _):
        j = i // (vregs_per_row // unroll)
        k = (i % (vregs_per_row // unroll)) * (unroll * LANES)
        for u in range(unroll):
            idx = dst_v[j, pl.ds(k + u * LANES, LANES)]
            cnt, last = plsc.scan_count(idx)
            plsc.addupdate_scatter(
                hist_v, [idx], cnt.astype(jnp.float32), mask=last)
        return 0
    lax.fori_loop(0, nchunk * vregs_per_row // unroll, acc, 0)

    pltpu.sync_copy(hist_v, out_hbm.at[wid])


def _agg_body(n_pad, n0, n1, feat, dummy,
              u_hbm, src_hbm, dst_hbm, out_hbm,
              src_v, dst_v, rows_v, zbuf, vshared, gsem):
    c = lax.axis_index("c")
    s = lax.axis_index("s")
    npt = n_pad // NS
    nmax = max(n0, n1)
    start = jnp.where(c == 0, s * n0, NS * n0 + s * n1)
    cnt = jnp.where(c == 0, n0, n1)

    def zero(i, _):
        for kk in range(feat // LANES):
            zbuf[i, pl.ds(kk * LANES, LANES)] = jnp.zeros((LANES,), jnp.float32)
        return 0
    lax.fori_loop(0, npt, zero, 0)
    pltpu.sync_copy(zbuf, vshared.at[pl.ds(s * npt, npt)])

    pltpu.sync_copy(src_hbm.at[pl.ds(start, nmax + 1)], src_v)
    pltpu.sync_copy(dst_hbm.at[pl.ds(start, nmax + 1)], dst_v)

    plsc.subcore_barrier()

    pltpu.async_copy(u_hbm.at[src_v.at[0]], rows_v.at[0], gsem)

    def step(t2, _):
        for bi in range(2):
            t = t2 * 2 + bi
            pltpu.make_async_copy(
                u_hbm.at[src_v.at[t]], rows_v.at[bi], gsem).wait()
            pltpu.async_copy(
                u_hbm.at[src_v.at[t + 1]], rows_v.at[1 - bi], gsem)
            pltpu.sync_copy(rows_v.at[bi], vshared.at[dst_v.at[t]], add=True)
        return 0
    lax.fori_loop(0, cnt // 2, step, 0)
    pltpu.make_async_copy(u_hbm.at[src_v.at[cnt]], rows_v.at[0], gsem).wait()

    plsc.subcore_barrier()
    pltpu.sync_copy(vshared.at[pl.ds(s * npt, npt)],
                    out_hbm.at[c, pl.ds(s * npt, npt)])


def _make_deg(n_pad, nchunk):
    return pl.kernel(
        functools.partial(_deg_body, n_pad, nchunk),
        out_type=jax.ShapeDtypeStruct((NW, n_pad), jnp.float32),
        mesh=_mesh,
        compiler_params=pltpu.CompilerParams(needs_layout_passes=False),
        scratch_types=[
            pltpu.VMEM((nchunk, CB), jnp.int32),
            pltpu.VMEM((n_pad,), jnp.float32),
        ],
    )


def _make_agg(n_pad, n0, n1, feat, dummy):
    nmax = max(n0, n1)
    return pl.kernel(
        functools.partial(_agg_body, n_pad, n0, n1, feat, dummy),
        out_type=jax.ShapeDtypeStruct((NC, n_pad, feat), jnp.float32),
        mesh=_mesh,
        compiler_params=pltpu.CompilerParams(use_tc_tiling_on_sc=False),
        scratch_types=[
            pltpu.VMEM((nmax + 1, CB), jnp.int32),
            pltpu.VMEM((nmax + 1, CB), jnp.int32),
            pltpu.VMEM((2, CB, feat), jnp.float32),
            pltpu.VMEM((n_pad // NS, feat), jnp.float32),
            pltpu.VMEM_SHARED((n_pad, feat), jnp.float32),
            pltpu.SemaphoreType.DMA,
        ],
    )



def _dense1_body(x_ref, w1_ref, hist_ref, u1_ref, dinv_ref):
    deg = jnp.sum(hist_ref[...], axis=0) + 1.0
    dinv = (deg ** -0.5)[:, None]
    h = jnp.dot(x_ref[...], w1_ref[...], preferred_element_type=jnp.float32)
    u1_ref[...] = h * dinv
    dinv_ref[...] = dinv


def _dense2_body(v1_ref, u1_ref, dinv_ref, b1_ref, w_ref):
    dinv = dinv_ref[...]
    agg = (v1_ref[0] + v1_ref[1] + u1_ref[...]) * dinv + b1_ref[...]
    h1 = jnp.maximum(agg, 0.0)
    w_ref[...] = h1 * dinv


def _final_body(n_nodes, v2_ref, w_ref, dinv_ref, b2_ref, w2_ref, wfc_ref,
                bfc_ref, out_ref):
    agg1 = (v2_ref[0] + v2_ref[1] + w_ref[...]) * dinv_ref[...]
    agg = jnp.dot(
        agg1, w2_ref[...], preferred_element_type=jnp.float32) + b2_ref[...]
    h2 = jnp.maximum(agg, 0.0)
    row = lax.broadcasted_iota(jnp.int32, h2.shape, 0)
    h2 = jnp.where(row < n_nodes, h2, 0.0)
    pooled = jnp.sum(h2, axis=0, keepdims=True)
    z = jnp.dot(pooled, wfc_ref[...], preferred_element_type=jnp.float32)
    z = z + bfc_ref[...] * jnp.float32(n_nodes)
    m = jnp.max(z, axis=1, keepdims=True)
    lse = jnp.log(jnp.sum(jnp.exp(z - m), axis=1, keepdims=True)) + m
    out_ref[...] = z - lse


def _tc(body, out_shape):
    return pl.pallas_call(body, out_shape=out_shape)



def kernel(x, edge_index, W1, b1, W2, b2, W_fc, b_fc):
    n_nodes, d_feat = x.shape
    f1 = W1.shape[1]
    f2 = W2.shape[1]
    n_edges = edge_index.shape[1]

    n_pad = ((n_nodes + 1 + NS * 8 - 1) // (NS * 8)) * (NS * 8)
    nchunk = -(-n_edges // (NW * CB))
    nchunk += nchunk % 2
    delta = 18
    n0, n1 = nchunk + delta, nchunk - delta
    nmax = max(n0, n1)
    tt = NS * (n0 + n1) + nmax + 1
    dummy = n_nodes

    ei = edge_index.astype(jnp.int32)
    pad = jnp.full((tt * CB - n_edges,), dummy, jnp.int32)
    src = jnp.concatenate([ei[0], pad]).reshape(tt, CB)
    dst = jnp.concatenate([ei[1], pad]).reshape(tt, CB)
    x_pad = jnp.pad(x, ((0, n_pad - n_nodes), (0, 0)))
    hist = _make_deg(n_pad, (NS * (n0 + n1)) // NW)(dst)

    u1, dinv = _tc(
        _dense1_body,
        (jax.ShapeDtypeStruct((n_pad, f1), jnp.float32),
         jax.ShapeDtypeStruct((n_pad, 1), jnp.float32)),
    )(x_pad, W1, hist)

    agg = _make_agg(n_pad, n0, n1, f1, dummy)
    v1 = agg(u1, src, dst)

    w = _tc(
        _dense2_body,
        jax.ShapeDtypeStruct((n_pad, f1), jnp.float32),
    )(v1, u1, dinv, b1.reshape(1, f1))

    v2 = agg(w, src, dst)

    out = _tc(
        functools.partial(_final_body, n_nodes),
        jax.ShapeDtypeStruct((1, W_fc.shape[1]), jnp.float32),
    )(v2, w, dinv, b2.reshape(1, f2), W2, W_fc,
      b_fc.reshape(1, W_fc.shape[1]))
    return out

# --- scband reference (transcript-rebuilt; emitter-appended) ---
"""Pipeline reference for scband-net-70145405878842 (READ-ONLY COPY).

The authoritative reference and input builder live on the scoring server;
editing this copy changes nothing except your own understanding.
"""

import jax, jax.numpy as jnp
import numpy as np

N_NODES = 10000
N_EDGES = 320000
D_FEAT = 128
HIDDEN = 16
N_CLASSES = 32


def gcn_conv(x, edge_index, W, b, n_nodes):
    # GCNConv: x' = D^{-1/2} (A + I) D^{-1/2} (x W) + b
    src = edge_index[0]
    dst = edge_index[1]
    loop = jnp.arange(n_nodes, dtype=src.dtype)
    src = jnp.concatenate([src, loop])
    dst = jnp.concatenate([dst, loop])
    h = x @ W
    deg = jnp.zeros((n_nodes,), dtype=h.dtype).at[dst].add(1.0)
    dinv = jnp.where(deg > 0, deg ** -0.5, 0.0)
    norm = dinv[src] * dinv[dst]
    msg = h[src] * norm[:, None]
    out = jnp.zeros((n_nodes, h.shape[1]), dtype=h.dtype).at[dst].add(msg)
    return out + b


def setup_inputs(seed: int = 0) -> dict:
    key = jax.random.key(seed)
    k1, k2, k3, k4, k5 = jax.random.split(key, 5)
    x = jax.random.normal(k1, (N_NODES, D_FEAT), dtype=jnp.float32)
    edge_index = jax.random.randint(k2, (2, N_EDGES), 0, N_NODES, dtype=jnp.int64)
    W1 = jax.random.normal(k3, (D_FEAT, HIDDEN), dtype=jnp.float32) * (1.0 / np.sqrt(D_FEAT))
    b1 = jnp.zeros((HIDDEN,), dtype=jnp.float32)
    W2 = jax.random.normal(k4, (HIDDEN, N_CLASSES), dtype=jnp.float32) * (1.0 / np.sqrt(HIDDEN))
    b2 = jnp.zeros((N_CLASSES,), dtype=jnp.float32)
    W_fc = jax.random.normal(k5, (N_CLASSES, 2), dtype=jnp.float32) * (1.0 / np.sqrt(N_CLASSES))
    b_fc = jnp.zeros((2,), dtype=jnp.float32)
    return {"x": x, "edge_index": edge_index, "W1": W1, "b1": b1, "W2": W2, "b2": b2, "W_fc": W_fc, "b_fc": b_fc}


def reference(x, edge_index, W1, b1, W2, b2, W_fc, b_fc):
    n_nodes = x.shape[0]
    h = gcn_conv(x, edge_index, W1, b1, n_nodes)
    h = jax.nn.relu(h)
    # F.dropout(training=self.training): identity at inference
    h = gcn_conv(h, edge_index, W2, b2, n_nodes)
    h = jax.nn.relu(h)
    h = h @ W_fc + b_fc
    # global_add_pool over a single graph (all nodes in segment 0)
    batch = jnp.zeros((n_nodes,), dtype=jnp.int32)
    pooled = jax.ops.segment_sum(h, batch, num_segments=1)
    return jax.nn.log_softmax(pooled, axis=1)

if __name__ == "__main__":
    import jax
    _d = setup_inputs()
    print(jax.jit(kernel)(*tuple(_d.values())))

</pallas_src>

<mosaic_0001>
#map = affine_map<(d0, d1) -> (0, 0)>
module attributes {stable_mosaic.version = 14 : i64} {
  func.func @_deg_body(%arg0: i32, %arg1: i32, %arg2: memref<2659x128xi32, #tpu.memory_space<hbm>>, %arg3: memref<32x10112xf32, #tpu.memory_space<hbm>>, %arg4: memref<80x128xi32, #tpu.memory_space<vmem>>, %arg5: memref<10112xf32, #tpu.memory_space<vmem>>) attributes {dimension_semantics = [#tpu.dimension_semantics<core_parallel>, #tpu.dimension_semantics<subcore_parallel>], iteration_bounds = array<i64: 2, 16>, scalar_prefetch = 0 : i64, scratch_operands = 2 : i64, tpu.core_type = #tpu.core_type<sc_vector_subcore>, window_params = [{transform_indices = #map}, {transform_indices = #map}]} {
    %mul3A = arith.constant 2 : i32
    %mul3A_0 = arith.muli %arg1, %mul3A : i32
    %add3A = arith.addi %mul3A_0, %arg0 : i32
    %scan3A = arith.constant 0 : i32
    %scan3A_1 = arith.constant 0 : i32
    %scan3A_2 = arith.constant 632 : i32
    %scan3A_3 = arith.addi %scan3A_1, %scan3A_2 : i32
    %scan3A_4 = arith.constant 1 : i32
    %scan3A_5 = scf.for %scan3A_16 = %scan3A_1 to %scan3A_3 step %scan3A_4 iter_args(%scan3A_17 = %scan3A) -> (i32)  : i32 {
      %broadcast_in_dim3A = arith.constant 0.000000e+00 : f32
      %broadcast_in_dim3A_18 = vector.broadcast %broadcast_in_dim3A : f32 to vector<16xf32>
      %mul3A_19 = arith.constant 16 : i32
      %mul3A_20 = arith.muli %scan3A_16, %mul3A_19 : i32
      %swap3A = arith.index_cast %mul3A_20 : i32 to index
      %swap3A_21 = tpu.vector_load %arg5[%swap3A] {strides = array<i32>} : memref<10112xf32, #tpu.memory_space<vmem>>, vector<16xf32>,
      tpu.vector_store %arg5[%swap3A], %broadcast_in_dim3A_18 {strides = array<i32>} : memref<10112xf32, #tpu.memory_space<vmem>>, vector<16xf32>,
      %scan3A_22 = arith.constant 0 : i32
      scf.yield %scan3A_22 : i32
    }
    %scan3A_6 = arith.constant 632 : i32
    %mul3A_7 = arith.constant 80 : i32
    %mul3A_8 = arith.muli %add3A, %mul3A_7 : i32
    "tpu.region"() ({
      %run_scoped3A = tpu.sem_alloc : memref<!tpu.dma_semaphore, #tpu.memory_space<semaphore_mem>>
      %dma_start3A = arith.constant 0 : i32
      %dma_start3A_16 = tpu.memref_slice %arg2[%mul3A_8, %dma_start3A] : memref<2659x128xi32, #tpu.memory_space<hbm>> -> memref<80x128xi32, #tpu.memory_space<hbm>>
      %dma_start3A_17 = arith.constant 0 : i32
      %dma_start3A_18 = tpu.memref_slice %arg2[%mul3A_8, %dma_start3A_17] : memref<2659x128xi32, #tpu.memory_space<hbm>> -> memref<80x128xi32, #tpu.memory_space<hbm>>
      tpu.enqueue_dma source(%dma_start3A_18 : memref<80x128xi32, #tpu.memory_space<hbm>>) target(%arg4 : memref<80x128xi32, #tpu.memory_space<vmem>>) target_semaphore(%run_scoped3A : memref<!tpu.dma_semaphore, #tpu.memory_space<semaphore_mem>>)
      %dma_wait3A = arith.constant 0 : i32
      %dma_wait3A_19 = tpu.memref_slice %arg2[%mul3A_8, %dma_wait3A] : memref<2659x128xi32, #tpu.memory_space<hbm>> -> memref<80x128xi32, #tpu.memory_space<hbm>>
      %dma_wait3A_20 = arith.constant 0 : i32
      %dma_wait3A_21 = tpu.memref_slice %arg2[%mul3A_8, %dma_wait3A_20] : memref<2659x128xi32, #tpu.memory_space<hbm>> -> memref<80x128xi32, #tpu.memory_space<hbm>>
      tpu.wait_dma2 semaphore(%run_scoped3A : memref<!tpu.dma_semaphore, #tpu.memory_space<semaphore_mem>>) src(%dma_wait3A_21 : memref<80x128xi32, #tpu.memory_space<hbm>>) dst(%arg4 : memref<80x128xi32, #tpu.memory_space<vmem>>)
      tpu.yield
    }) : () -> ()
    %scan3A_9 = arith.constant 0 : i32
    %scan3A_10 = arith.constant 0 : i32
    %scan3A_11 = arith.constant 160 : i32
    %scan3A_12 = arith.addi %scan3A_10, %scan3A_11 : i32
    %scan3A_13 = arith.constant 1 : i32
    %scan3A_14 = scf.for %scan3A_16 = %scan3A_10 to %scan3A_12 step %scan3A_13 iter_args(%scan3A_17 = %scan3A_9) -> (i32)  : i32 {
      %jit3A = arith.constant 2 : i32
      %div3A = arith.divsi %scan3A_16, %jit3A : i32
      %sign3A = arith.constant 0 : i32
      %sign3A_18 = arith.cmpi sgt, %scan3A_16, %sign3A : i32
      %sign3A_19 = arith.extui %sign3A_18 : i1 to i32
      %sign3A_20 = arith.constant 0 : i32
      %sign3A_21 = arith.cmpi slt, %scan3A_16, %sign3A_20 : i32
      %sign3A_22 = arith.extui %sign3A_21 : i1 to i32
      %sign3A_23 = arith.subi %sign3A_19, %sign3A_22 : i32
      %sign3A_24 = arith.constant 0 : i32
      %sign3A_25 = arith.cmpi sgt, %jit3A, %sign3A_24 : i32
      %sign3A_26 = arith.extui %sign3A_25 : i1 to i32
      %sign3A_27 = arith.constant 0 : i32
      %sign3A_28 = arith.cmpi slt, %jit3A, %sign3A_27 : i32
      %sign3A_29 = arith.extui %sign3A_28 : i1 to i32
      %sign3A_30 = arith.subi %sign3A_26, %sign3A_29 : i32
      %ne3A = arith.cmpi ne, %sign3A_23, %sign3A_30 : i32
      %rem3A = arith.remsi %scan3A_16, %jit3A : i32
      %ne3A_31 = arith.constant 0 : i32
      %ne3A_32 = arith.cmpi ne, %rem3A, %ne3A_31 : i32
      %and3A = arith.andi %ne3A, %ne3A_32 : i1
      %sub3A = arith.constant 1 : i32
      %sub3A_33 = arith.subi %div3A, %sub3A : i32
      %select_n3A = arith.select %and3A, %sub3A_33, %div3A : i32
      %jit3A_34 = arith.constant 2 : i32
      %eq3A = arith.constant 0 : i32
      %eq3A_35 = arith.cmpi eq, %jit3A_34, %eq3A : i32
      %jit3A_36 = arith.constant 1 : i32
      %select_n3A_37 = arith.select %eq3A_35, %jit3A_36, %jit3A_34 : i32
      %rem3A_38 = arith.remsi %scan3A_16, %select_n3A_37 : i32
      %ne3A_39 = arith.constant 0 : i32
      %ne3A_40 = arith.cmpi ne, %rem3A_38, %ne3A_39 : i32
      %lt3A = arith.constant 0 : i32
      %lt3A_41 = arith.cmpi slt, %rem3A_38, %lt3A : i32
      %lt3A_42 = arith.constant 0 : i32
      %lt3A_43 = arith.cmpi slt, %select_n3A_37, %lt3A_42 : i32
      %ne3A_44 = arith.xori %lt3A_41, %lt3A_43 : i1
      %and3A_45 = arith.andi %ne3A_44, %ne3A_40 : i1
      %add3A_46 = arith.addi %rem3A_38, %select_n3A_37 : i32
      %select_n3A_47 = arith.select %and3A_45, %add3A_46, %rem3A_38 : i32
      %mul3A_48 = arith.constant 64 : i32
      %mul3A_49 = arith.muli %select_n3A_47, %mul3A_48 : i32
      %add3A_50 = arith.constant 0 : i32
      %add3A_51 = arith.addi %mul3A_49, %add3A_50 : i32
      %get3A = arith.index_cast %select_n3A : i32 to index
      %get3A_52 = arith.index_cast %add3A_51 : i32 to index
      %get3A_53 = tpu.vector_load %arg4[%get3A, %get3A_52] {strides = array<i32>} : memref<80x128xi32, #tpu.memory_space<vmem>>, vector<16xi32>,
      %broadcast_in_dim3A = arith.constant true
      %broadcast_in_dim3A_54 = vector.broadcast %broadcast_in_dim3A : i1 to vector<16xi1>
      %unique3A, %unique3A_55 = tpu.scan_count mask(%broadcast_in_dim3A_54 : vector<16xi1>) value(%get3A_53 : vector<16xi32>) : vector<16xi1>, vector<16xi32>
      %convert_element_type3A = arith.sitofp %unique3A_55 : vector<16xi32> to vector<16xf32>
      tpu.vector_store_idx %arg5[%get3A_53], %convert_element_type3A masked %unique3A {add = true} : memref<10112xf32, #tpu.memory_space<vmem>>[vector<16xi32>], vector<16xf32>, vector<16xi1>
      %add3A_56 = arith.constant 16 : i32
      %add3A_57 = arith.addi %mul3A_49, %add3A_56 : i32
      %get3A_58 = arith.index_cast %select_n3A : i32 to index
      %get3A_59 = arith.index_cast %add3A_57 : i32 to index
      %get3A_60 = tpu.vector_load %arg4[%get3A_58, %get3A_59] {strides = array<i32>} : memref<80x128xi32, #tpu.memory_space<vmem>>, vector<16xi32>,
      %broadcast_in_dim3A_61 = arith.constant true
      %broadcast_in_dim3A_62 = vector.broadcast %broadcast_in_dim3A_61 : i1 to vector<16xi1>
      %unique3A_63, %unique3A_64 = tpu.scan_count mask(%broadcast_in_dim3A_62 : vector<16xi1>) value(%get3A_60 : vector<16xi32>) : vector<16xi1>, vector<16xi32>
      %convert_element_type3A_65 = arith.sitofp %unique3A_64 : vector<16xi32> to vector<16xf32>
      tpu.vector_store_idx %arg5[%get3A_60], %convert_element_type3A_65 masked %unique3A_63 {add = true} : memref<10112xf32, #tpu.memory_space<vmem>>[vector<16xi32>], vector<16xf32>, vector<16xi1>
      %add3A_66 = arith.constant 32 : i32
      %add3A_67 = arith.addi %mul3A_49, %add3A_66 : i32
      %get3A_68 = arith.index_cast %select_n3A : i32 to index
      %get3A_69 = arith.index_cast %add3A_67 : i32 to index
      %get3A_70 = tpu.vector_load %arg4[%get3A_68, %get3A_69] {strides = array<i32>} : memref<80x128xi32, #tpu.memory_space<vmem>>, vector<16xi32>,
      %broadcast_in_dim3A_71 = arith.constant true
      %broadcast_in_dim3A_72 = vector.broadcast %broadcast_in_dim3A_71 : i1 to vector<16xi1>
      %unique3A_73, %unique3A_74 = tpu.scan_count mask(%broadcast_in_dim3A_72 : vector<16xi1>) value(%get3A_70 : vector<16xi32>) : vector<16xi1>, vector<16xi32>
      %convert_element_type3A_75 = arith.sitofp %unique3A_74 : vector<16xi32> to vector<16xf32>
      tpu.vector_store_idx %arg5[%get3A_70], %convert_element_type3A_75 masked %unique3A_73 {add = true} : memref<10112xf32, #tpu.memory_space<vmem>>[vector<16xi32>], vector<16xf32>, vector<16xi1>
      %add3A_76 = arith.constant 48 : i32
      %add3A_77 = arith.addi %mul3A_49, %add3A_76 : i32
      %get3A_78 = arith.index_cast %select_n3A : i32 to index
      %get3A_79 = arith.index_cast %add3A_77 : i32 to index
      %get3A_80 = tpu.vector_load %arg4[%get3A_78, %get3A_79] {strides = array<i32>} : memref<80x128xi32, #tpu.memory_space<vmem>>, vector<16xi32>,
      %broadcast_in_dim3A_81 = arith.constant true
      %broadcast_in_dim3A_82 = vector.broadcast %broadcast_in_dim3A_81 : i1 to vector<16xi1>
      %unique3A_83, %unique3A_84 = tpu.scan_count mask(%broadcast_in_dim3A_82 : vector<16xi1>) value(%get3A_80 : vector<16xi32>) : vector<16xi1>, vector<16xi32>
      %convert_element_type3A_85 = arith.sitofp %unique3A_84 : vector<16xi32> to vector<16xf32>
      tpu.vector_store_idx %arg5[%get3A_80], %convert_element_type3A_85 masked %unique3A_83 {add = true} : memref<10112xf32, #tpu.memory_space<vmem>>[vector<16xi32>], vector<16xf32>, vector<16xi1>
      %scan3A_86 = arith.constant 0 : i32
      scf.yield %scan3A_86 : i32
    }
    %scan3A_15 = arith.constant 160 : i32
    "tpu.region"() ({
      %run_scoped3A = tpu.sem_alloc : memref<!tpu.dma_semaphore, #tpu.memory_space<semaphore_mem>>
      %dma_start3A = arith.constant 0 : i32
      %dma_start3A_16 = tpu.memref_slice %arg3[%add3A, %dma_start3A] : memref<32x10112xf32, #tpu.memory_space<hbm>> -> memref<1x10112xf32, #tpu.memory_space<hbm>>
      %dma_start3A_17 = tpu.memref_squeeze %dma_start3A_16 : memref<1x10112xf32, #tpu.memory_space<hbm>> -> memref<10112xf32, #tpu.memory_space<hbm>>
      %dma_start3A_18 = arith.constant 0 : i32
      %dma_start3A_19 = tpu.memref_slice %arg3[%add3A, %dma_start3A_18] : memref<32x10112xf32, #tpu.memory_space<hbm>> -> memref<1x10112xf32, #tpu.memory_space<hbm>>
      %dma_start3A_20 = tpu.memref_squeeze %dma_start3A_19 : memref<1x10112xf32, #tpu.memory_space<hbm>> -> memref<10112xf32, #tpu.memory_space<hbm>>
      tpu.enqueue_dma source(%arg5 : memref<10112xf32, #tpu.memory_space<vmem>>) target(%dma_start3A_20 : memref<10112xf32, #tpu.memory_space<hbm>>) target_semaphore(%run_scoped3A : memref<!tpu.dma_semaphore, #tpu.memory_space<semaphore_mem>>)
      %dma_wait3A = arith.constant 0 : i32
      %dma_wait3A_21 = tpu.memref_slice %arg3[%add3A, %dma_wait3A] : memref<32x10112xf32, #tpu.memory_space<hbm>> -> memref<1x10112xf32, #tpu.memory_space<hbm>>
      %dma_wait3A_22 = tpu.memref_squeeze %dma_wait3A_21 : memref<1x10112xf32, #tpu.memory_space<hbm>> -> memref<10112xf32, #tpu.memory_space<hbm>>
      %dma_wait3A_23 = arith.constant 0 : i32
      %dma_wait3A_24 = tpu.memref_slice %arg3[%add3A, %dma_wait3A_23] : memref<32x10112xf32, #tpu.memory_space<hbm>> -> memref<1x10112xf32, #tpu.memory_space<hbm>>
      %dma_wait3A_25 = tpu.memref_squeeze %dma_wait3A_24 : memref<1x10112xf32, #tpu.memory_space<hbm>> -> memref<10112xf32, #tpu.memory_space<hbm>>
      tpu.wait_dma2 semaphore(%run_scoped3A : memref<!tpu.dma_semaphore, #tpu.memory_space<semaphore_mem>>) src(%arg5 : memref<10112xf32, #tpu.memory_space<vmem>>) dst(%dma_wait3A_25 : memref<10112xf32, #tpu.memory_space<hbm>>)
      tpu.yield
    }) : () -> ()
    return
  }
}

#map = affine_map<(d0, d1) -> (0, 0)>
#map1 = affine_map<(d0, d1) -> (0, 0, 0)>
module attributes {stable_mosaic.version = 14 : i64} {
  func.func @_agg_body(%arg0: i32, %arg1: i32, %arg2: memref<10112x16xf32, #tpu.memory_space<hbm>>, %arg3: memref<2659x128xi32, #tpu.memory_space<hbm>>, %arg4: memref<2659x128xi32, #tpu.memory_space<hbm>>, %arg5: memref<2x10112x16xf32, #tpu.memory_space<hbm>>, %arg6: memref<99x128xi32, #tpu.memory_space<vmem>>, %arg7: memref<99x128xi32, #tpu.memory_space<vmem>>, %arg8: memref<2x128x16xf32, #tpu.memory_space<vmem>>, %arg9: memref<632x16xf32, #tpu.memory_space<vmem>>, %arg10: memref<10112x16xf32, #tpu.memory_space<vmem_shared>>, %arg11: memref<!tpu.dma_semaphore, #tpu.memory_space<semaphore_mem>>) attributes {dimension_semantics = [#tpu.dimension_semantics<core_parallel>, #tpu.dimension_semantics<subcore_parallel>], iteration_bounds = array<i64: 2, 16>, scalar_prefetch = 0 : i64, scratch_operands = 6 : i64, tpu.core_type = #tpu.core_type<sc_vector_subcore>, window_params = [{transform_indices = #map}, {transform_indices = #map}, {transform_indices = #map}, {transform_indices = #map1}]} {
    %eq3A = arith.constant 0 : i32
    %eq3A_0 = arith.cmpi eq, %arg0, %eq3A : i32
    %mul3A = arith.constant 98 : i32
    %mul3A_1 = arith.muli %arg1, %mul3A : i32
    %mul3A_2 = arith.constant 62 : i32
    %mul3A_3 = arith.muli %arg1, %mul3A_2 : i32
    %add3A = arith.constant 1568 : i32
    %add3A_4 = arith.addi %add3A, %mul3A_3 : i32
    %select_n3A = arith.select %eq3A_0, %mul3A_1, %add3A_4 : i32
    %eq3A_5 = arith.constant 0 : i32
    %eq3A_6 = arith.cmpi eq, %arg0, %eq3A_5 : i32
    %jit3A = arith.constant 98 : i32
    %jit3A_7 = arith.constant 62 : i32
    %select_n3A_8 = arith.select %eq3A_6, %jit3A, %jit3A_7 : i32
    %scan3A = arith.constant 0 : i32
    %scan3A_9 = arith.constant 0 : i32
    %scan3A_10 = arith.constant 632 : i32
    %scan3A_11 = arith.addi %scan3A_9, %scan3A_10 : i32
    %scan3A_12 = arith.constant 1 : i32
    %scan3A_13 = scf.for %scan3A_72 = %scan3A_9 to %scan3A_11 step %scan3A_12 iter_args(%scan3A_73 = %scan3A) -> (i32)  : i32 {
      %broadcast_in_dim3A = arith.constant 0.000000e+00 : f32
      %broadcast_in_dim3A_74 = vector.broadcast %broadcast_in_dim3A : f32 to vector<16xf32>
      %swap3A = arith.index_cast %scan3A_72 : i32 to index
      %swap3A_75 = arith.constant 0 : index
      %swap3A_76 = tpu.vector_load %arg9[%swap3A, %swap3A_75] {strides = array<i32>} : memref<632x16xf32, #tpu.memory_space<vmem>>, vector<1x16xf32>,
      %swap3A_77 = vector.shape_cast %swap3A_76 : vector<1x16xf32> to vector<16xf32>
      %swap3A_78 = vector.shape_cast %broadcast_in_dim3A_74 : vector<16xf32> to vector<1x16xf32>
      tpu.vector_store %arg9[%swap3A, %swap3A_75], %swap3A_78 {strides = array<i32>} : memref<632x16xf32, #tpu.memory_space<vmem>>, vector<1x16xf32>,
      %scan3A_79 = arith.constant 0 : i32
      scf.yield %scan3A_79 : i32
    }
    %scan3A_14 = arith.constant 632 : i32
    %mul3A_15 = arith.constant 632 : i32
    %mul3A_16 = arith.muli %arg1, %mul3A_15 : i32
    "tpu.region"() ({
      %run_scoped3A = tpu.sem_alloc : memref<!tpu.dma_semaphore, #tpu.memory_space<semaphore_mem>>
      %dma_start3A_72 = arith.constant 0 : i32
      %dma_start3A_73 = tpu.memref_slice %arg10[%mul3A_16, %dma_start3A_72] : memref<10112x16xf32, #tpu.memory_space<vmem_shared>> -> memref<632x16xf32, #tpu.memory_space<vmem_shared>>
      %dma_start3A_74 = arith.constant 0 : i32
      %dma_start3A_75 = tpu.memref_slice %arg10[%mul3A_16, %dma_start3A_74] : memref<10112x16xf32, #tpu.memory_space<vmem_shared>> -> memref<632x16xf32, #tpu.memory_space<vmem_shared>>
      tpu.enqueue_dma source(%arg9 : memref<632x16xf32, #tpu.memory_space<vmem>>) target(%dma_start3A_75 : memref<632x16xf32, #tpu.memory_space<vmem_shared>>) target_semaphore(%run_scoped3A : memref<!tpu.dma_semaphore, #tpu.memory_space<semaphore_mem>>)
      %dma_wait3A_76 = arith.constant 0 : i32
      %dma_wait3A_77 = tpu.memref_slice %arg10[%mul3A_16, %dma_wait3A_76] : memref<10112x16xf32, #tpu.memory_space<vmem_shared>> -> memref<632x16xf32, #tpu.memory_space<vmem_shared>>
      %dma_wait3A_78 = arith.constant 0 : i32
      %dma_wait3A_79 = tpu.memref_slice %arg10[%mul3A_16, %dma_wait3A_78] : memref<10112x16xf32, #tpu.memory_space<vmem_shared>> -> memref<632x16xf32, #tpu.memory_space<vmem_shared>>
      tpu.wait_dma2 semaphore(%run_scoped3A : memref<!tpu.dma_semaphore, #tpu.memory_space<semaphore_mem>>) src(%arg9 : memref<632x16xf32, #tpu.memory_space<vmem>>) dst(%dma_wait3A_79 : memref<632x16xf32, #tpu.memory_space<vmem_shared>>)
      tpu.yield
    }) : () -> ()
    "tpu.region"() ({
      %run_scoped3A = tpu.sem_alloc : memref<!tpu.dma_semaphore, #tpu.memory_space<semaphore_mem>>
      %dma_start3A_72 = arith.constant 0 : i32
      %dma_start3A_73 = tpu.memref_slice %arg3[%select_n3A, %dma_start3A_72] : memref<2659x128xi32, #tpu.memory_space<hbm>> -> memref<99x128xi32, #tpu.memory_space<hbm>>
      %dma_start3A_74 = arith.constant 0 : i32
      %dma_start3A_75 = tpu.memref_slice %arg3[%select_n3A, %dma_start3A_74] : memref<2659x128xi32, #tpu.memory_space<hbm>> -> memref<99x128xi32, #tpu.memory_space<hbm>>
      tpu.enqueue_dma source(%dma_start3A_75 : memref<99x128xi32, #tpu.memory_space<hbm>>) target(%arg6 : memref<99x128xi32, #tpu.memory_space<vmem>>) target_semaphore(%run_scoped3A : memref<!tpu.dma_semaphore, #tpu.memory_space<semaphore_mem>>)
      %dma_wait3A_76 = arith.constant 0 : i32
      %dma_wait3A_77 = tpu.memref_slice %arg3[%select_n3A, %dma_wait3A_76] : memref<2659x128xi32, #tpu.memory_space<hbm>> -> memref<99x128xi32, #tpu.memory_space<hbm>>
      %dma_wait3A_78 = arith.constant 0 : i32
      %dma_wait3A_79 = tpu.memref_slice %arg3[%select_n3A, %dma_wait3A_78] : memref<2659x128xi32, #tpu.memory_space<hbm>> -> memref<99x128xi32, #tpu.memory_space<hbm>>
      tpu.wait_dma2 semaphore(%run_scoped3A : memref<!tpu.dma_semaphore, #tpu.memory_space<semaphore_mem>>) src(%dma_wait3A_79 : memref<99x128xi32, #tpu.memory_space<hbm>>) dst(%arg6 : memref<99x128xi32, #tpu.memory_space<vmem>>)
      tpu.yield
    }) : () -> ()
    "tpu.region"() ({
      %run_scoped3A = tpu.sem_alloc : memref<!tpu.dma_semaphore, #tpu.memory_space<semaphore_mem>>
      %dma_start3A_72 = arith.constant 0 : i32
      %dma_start3A_73 = tpu.memref_slice %arg4[%select_n3A, %dma_start3A_72] : memref<2659x128xi32, #tpu.memory_space<hbm>> -> memref<99x128xi32, #tpu.memory_space<hbm>>
      %dma_start3A_74 = arith.constant 0 : i32
      %dma_start3A_75 = tpu.memref_slice %arg4[%select_n3A, %dma_start3A_74] : memref<2659x128xi32, #tpu.memory_space<hbm>> -> memref<99x128xi32, #tpu.memory_space<hbm>>
      tpu.enqueue_dma source(%dma_start3A_75 : memref<99x128xi32, #tpu.memory_space<hbm>>) target(%arg7 : memref<99x128xi32, #tpu.memory_space<vmem>>) target_semaphore(%run_scoped3A : memref<!tpu.dma_semaphore, #tpu.memory_space<semaphore_mem>>)
      %dma_wait3A_76 = arith.constant 0 : i32
      %dma_wait3A_77 = tpu.memref_slice %arg4[%select_n3A, %dma_wait3A_76] : memref<2659x128xi32, #tpu.memory_space<hbm>> -> memref<99x128xi32, #tpu.memory_space<hbm>>
      %dma_wait3A_78 = arith.constant 0 : i32
      %dma_wait3A_79 = tpu.memref_slice %arg4[%select_n3A, %dma_wait3A_78] : memref<2659x128xi32, #tpu.memory_space<hbm>> -> memref<99x128xi32, #tpu.memory_space<hbm>>
      tpu.wait_dma2 semaphore(%run_scoped3A : memref<!tpu.dma_semaphore, #tpu.memory_space<semaphore_mem>>) src(%dma_wait3A_79 : memref<99x128xi32, #tpu.memory_space<hbm>>) dst(%arg7 : memref<99x128xi32, #tpu.memory_space<vmem>>)
      tpu.yield
    }) : () -> ()
    %barrier3A = arith.constant 0 : index
    tpu.barrier barrier_id(%barrier3A)
    %dma_start3A = arith.constant 0 : i32
    %dma_start3A_17 = arith.constant 0 : i32
    %dma_start3A_18 = arith.constant 0 : i32
    %dma_start3A_19 = arith.constant 0 : i32
    %dma_start3A_20 = tpu.memref_slice %arg8[%dma_start3A_17, %dma_start3A_18, %dma_start3A_19] : memref<2x128x16xf32, #tpu.memory_space<vmem>> -> memref<1x128x16xf32, #tpu.memory_space<vmem>>
    %dma_start3A_21 = tpu.memref_squeeze %dma_start3A_20 : memref<1x128x16xf32, #tpu.memory_space<vmem>> -> memref<128x16xf32, #tpu.memory_space<vmem>>
    %dma_start3A_22 = arith.constant 0 : i32
    %dma_start3A_23 = tpu.memref_slice %arg6[%dma_start3A, %dma_start3A_22] : memref<99x128xi32, #tpu.memory_space<vmem>> -> memref<1x128xi32, #tpu.memory_space<vmem>>
    %dma_start3A_24 = tpu.memref_squeeze %dma_start3A_23 : memref<1x128xi32, #tpu.memory_space<vmem>> -> memref<128xi32, #tpu.memory_space<vmem>>
    %dma_start3A_25 = arith.constant 0 : i32
    %dma_start3A_26 = arith.constant 0 : i32
    %dma_start3A_27 = tpu.memref_slice %arg2[%dma_start3A_25, %dma_start3A_26] : memref<10112x16xf32, #tpu.memory_space<hbm>> -> memref<10112x16xf32, #tpu.memory_space<hbm>>
    tpu.enqueue_indirect_dma source(%dma_start3A_27 : memref<10112x16xf32, #tpu.memory_space<hbm>>) target(%dma_start3A_21 : memref<128x16xf32, #tpu.memory_space<vmem>>) offsets(%dma_start3A_24 : memref<128xi32, #tpu.memory_space<vmem>>) semaphore(%arg11 : memref<!tpu.dma_semaphore, #tpu.memory_space<semaphore_mem>>)
    %jit3A_28 = arith.constant 2 : i32
    %div3A = arith.divsi %select_n3A_8, %jit3A_28 : i32
    %sign3A = arith.constant 0 : i32
    %sign3A_29 = arith.cmpi sgt, %select_n3A_8, %sign3A : i32
    %sign3A_30 = arith.extui %sign3A_29 : i1 to i32
    %sign3A_31 = arith.constant 0 : i32
    %sign3A_32 = arith.cmpi slt, %select_n3A_8, %sign3A_31 : i32
    %sign3A_33 = arith.extui %sign3A_32 : i1 to i32
    %sign3A_34 = arith.subi %sign3A_30, %sign3A_33 : i32
    %sign3A_35 = arith.constant 0 : i32
    %sign3A_36 = arith.cmpi sgt, %jit3A_28, %sign3A_35 : i32
    %sign3A_37 = arith.extui %sign3A_36 : i1 to i32
    %sign3A_38 = arith.constant 0 : i32
    %sign3A_39 = arith.cmpi slt, %jit3A_28, %sign3A_38 : i32
    %sign3A_40 = arith.extui %sign3A_39 : i1 to i32
    %sign3A_41 = arith.subi %sign3A_37, %sign3A_40 : i32
    %ne3A = arith.cmpi ne, %sign3A_34, %sign3A_41 : i32
    %rem3A = arith.remsi %select_n3A_8, %jit3A_28 : i32
    %ne3A_42 = arith.constant 0 : i32
    %ne3A_43 = arith.cmpi ne, %rem3A, %ne3A_42 : i32
    %and3A = arith.andi %ne3A, %ne3A_43 : i1
    %sub3A = arith.constant 1 : i32
    %sub3A_44 = arith.subi %div3A, %sub3A : i32
    %select_n3A_45 = arith.select %and3A, %sub3A_44, %div3A : i32
    %while3A = arith.constant 0 : i32
    %while3A_46 = arith.constant 0 : i32
    %while3A_47 = arith.subi %select_n3A_45, %while3A : i32
    %while3A_48 = arith.addi %while3A, %while3A_47 : i32
    %while3A_49 = arith.constant 1 : i32
    %while3A_50 = arith.divsi %while3A_47, %while3A_49 : i32
    %while3A_51 = arith.muli %while3A_50, %while3A_49 : i32
    %while3A_52 = arith.addi %while3A, %while3A_51 : i32
    %while3A_53 = arith.constant 1 : i32
    %while3A_54 = scf.for %while3A_72 = %while3A to %while3A_52 step %while3A_53 iter_args(%while3A_73 = %while3A_46) -> (i32)  : i32 {
      %mul3A_74 = arith.constant 2 : i32
      %mul3A_75 = arith.muli %while3A_72, %mul3A_74 : i32
      %add3A_76 = arith.constant 0 : i32
      %add3A_77 = arith.addi %mul3A_75, %add3A_76 : i32
      %dma_wait3A_78 = arith.constant 0 : i32
      %dma_wait3A_79 = arith.constant 0 : i32
      %dma_wait3A_80 = arith.constant 0 : i32
      %dma_wait3A_81 = tpu.memref_slice %arg8[%dma_wait3A_78, %dma_wait3A_79, %dma_wait3A_80] : memref<2x128x16xf32, #tpu.memory_space<vmem>> -> memref<1x128x16xf32, #tpu.memory_space<vmem>>
      %dma_wait3A_82 = tpu.memref_squeeze %dma_wait3A_81 : memref<1x128x16xf32, #tpu.memory_space<vmem>> -> memref<128x16xf32, #tpu.memory_space<vmem>>
      %dma_wait3A_83 = arith.constant 0 : i32
      %dma_wait3A_84 = tpu.memref_slice %arg6[%add3A_77, %dma_wait3A_83] : memref<99x128xi32, #tpu.memory_space<vmem>> -> memref<1x128xi32, #tpu.memory_space<vmem>>
      %dma_wait3A_85 = tpu.memref_squeeze %dma_wait3A_84 : memref<1x128xi32, #tpu.memory_space<vmem>> -> memref<128xi32, #tpu.memory_space<vmem>>
      %dma_wait3A_86 = arith.constant 0 : i32
      %dma_wait3A_87 = arith.constant 0 : i32
      %dma_wait3A_88 = tpu.memref_slice %arg2[%dma_wait3A_86, %dma_wait3A_87] : memref<10112x16xf32, #tpu.memory_space<hbm>> -> memref<10112x16xf32, #tpu.memory_space<hbm>>
      tpu.wait_indirect_dma semaphore(%arg11 : memref<!tpu.dma_semaphore, #tpu.memory_space<semaphore_mem>>) src(%dma_wait3A_88 : memref<10112x16xf32, #tpu.memory_space<hbm>>) dst(%dma_wait3A_82 : memref<128x16xf32, #tpu.memory_space<vmem>>)
      %add3A_89 = arith.constant 1 : i32
      %add3A_90 = arith.addi %add3A_77, %add3A_89 : i32
      %dma_start3A_91 = arith.constant 1 : i32
      %dma_start3A_92 = arith.constant 0 : i32
      %dma_start3A_93 = arith.constant 0 : i32
      %dma_start3A_94 = tpu.memref_slice %arg8[%dma_start3A_91, %dma_start3A_92, %dma_start3A_93] : memref<2x128x16xf32, #tpu.memory_space<vmem>> -> memref<1x128x16xf32, #tpu.memory_space<vmem>>
      %dma_start3A_95 = tpu.memref_squeeze %dma_start3A_94 : memref<1x128x16xf32, #tpu.memory_space<vmem>> -> memref<128x16xf32, #tpu.memory_space<vmem>>
      %dma_start3A_96 = arith.constant 0 : i32
      %dma_start3A_97 = tpu.memref_slice %arg6[%add3A_90, %dma_start3A_96] : memref<99x128xi32, #tpu.memory_space<vmem>> -> memref<1x128xi32, #tpu.memory_space<vmem>>
      %dma_start3A_98 = tpu.memref_squeeze %dma_start3A_97 : memref<1x128xi32, #tpu.memory_space<vmem>> -> memref<128xi32, #tpu.memory_space<vmem>>
      %dma_start3A_99 = arith.constant 0 : i32
      %dma_start3A_100 = arith.constant 0 : i32
      %dma_start3A_101 = tpu.memref_slice %arg2[%dma_start3A_99, %dma_start3A_100] : memref<10112x16xf32, #tpu.memory_space<hbm>> -> memref<10112x16xf32, #tpu.memory_space<hbm>>
      tpu.enqueue_indirect_dma source(%dma_start3A_101 : memref<10112x16xf32, #tpu.memory_space<hbm>>) target(%dma_start3A_95 : memref<128x16xf32, #tpu.memory_space<vmem>>) offsets(%dma_start3A_98 : memref<128xi32, #tpu.memory_space<vmem>>) semaphore(%arg11 : memref<!tpu.dma_semaphore, #tpu.memory_space<semaphore_mem>>)
      %run_scoped3A = arith.constant 0 : i32
      "tpu.region"() ({
        %run_scoped3A_132 = tpu.sem_alloc : memref<!tpu.dma_semaphore, #tpu.memory_space<semaphore_mem>>
        %dma_start3A_133 = arith.constant 0 : i32
        %dma_start3A_134 = arith.constant 0 : i32
        %dma_start3A_135 = tpu.memref_slice %arg8[%run_scoped3A, %dma_start3A_133, %dma_start3A_134] : memref<2x128x16xf32, #tpu.memory_space<vmem>> -> memref<1x128x16xf32, #tpu.memory_space<vmem>>
        %dma_start3A_136 = tpu.memref_squeeze %dma_start3A_135 : memref<1x128x16xf32, #tpu.memory_space<vmem>> -> memref<128x16xf32, #tpu.memory_space<vmem>>
        %dma_start3A_137 = arith.constant 0 : i32
        %dma_start3A_138 = tpu.memref_slice %arg7[%add3A_77, %dma_start3A_137] : memref<99x128xi32, #tpu.memory_space<vmem>> -> memref<1x128xi32, #tpu.memory_space<vmem>>
        %dma_start3A_139 = tpu.memref_squeeze %dma_start3A_138 : memref<1x128xi32, #tpu.memory_space<vmem>> -> memref<128xi32, #tpu.memory_space<vmem>>
        %dma_start3A_140 = arith.constant 0 : i32
        %dma_start3A_141 = arith.constant 0 : i32
        %dma_start3A_142 = tpu.memref_slice %arg10[%dma_start3A_140, %dma_start3A_141] : memref<10112x16xf32, #tpu.memory_space<vmem_shared>> -> memref<10112x16xf32, #tpu.memory_space<vmem_shared>>
        tpu.enqueue_indirect_dma source(%dma_start3A_136 : memref<128x16xf32, #tpu.memory_space<vmem>>) target(%dma_start3A_142 : memref<10112x16xf32, #tpu.memory_space<vmem_shared>>) offsets(%dma_start3A_139 : memref<128xi32, #tpu.memory_space<vmem>>) semaphore(%run_scoped3A_132 : memref<!tpu.dma_semaphore, #tpu.memory_space<semaphore_mem>>) {add = true}
        %dma_wait3A_143 = arith.constant 0 : i32
        %dma_wait3A_144 = arith.constant 0 : i32
        %dma_wait3A_145 = tpu.memref_slice %arg8[%run_scoped3A, %dma_wait3A_143, %dma_wait3A_144] : memref<2x128x16xf32, #tpu.memory_space<vmem>> -> memref<1x128x16xf32, #tpu.memory_space<vmem>>
        %dma_wait3A_146 = tpu.memref_squeeze %dma_wait3A_145 : memref<1x128x16xf32, #tpu.memory_space<vmem>> -> memref<128x16xf32, #tpu.memory_space<vmem>>
        %dma_wait3A_147 = arith.constant 0 : i32
        %dma_wait3A_148 = tpu.memref_slice %arg7[%add3A_77, %dma_wait3A_147] : memref<99x128xi32, #tpu.memory_space<vmem>> -> memref<1x128xi32, #tpu.memory_space<vmem>>
        %dma_wait3A_149 = tpu.memref_squeeze %dma_wait3A_148 : memref<1x128xi32, #tpu.memory_space<vmem>> -> memref<128xi32, #tpu.memory_space<vmem>>
        %dma_wait3A_150 = arith.constant 0 : i32
        %dma_wait3A_151 = arith.constant 0 : i32
        %dma_wait3A_152 = tpu.memref_slice %arg10[%dma_wait3A_150, %dma_wait3A_151] : memref<10112x16xf32, #tpu.memory_space<vmem_shared>> -> memref<10112x16xf32, #tpu.memory_space<vmem_shared>>
        tpu.wait_indirect_dma semaphore(%run_scoped3A_132 : memref<!tpu.dma_semaphore, #tpu.memory_space<semaphore_mem>>) src(%dma_wait3A_146 : memref<128x16xf32, #tpu.memory_space<vmem>>) dst(%dma_wait3A_152 : memref<10112x16xf32, #tpu.memory_space<vmem_shared>>)
        tpu.yield
      }) : () -> ()
      %mul3A_102 = arith.constant 2 : i32
      %mul3A_103 = arith.muli %while3A_72, %mul3A_102 : i32
      %add3A_104 = arith.constant 1 : i32
      %add3A_105 = arith.addi %mul3A_103, %add3A_104 : i32
      %dma_wait3A_106 = arith.constant 1 : i32
      %dma_wait3A_107 = arith.constant 0 : i32
      %dma_wait3A_108 = arith.constant 0 : i32
      %dma_wait3A_109 = tpu.memref_slice %arg8[%dma_wait3A_106, %dma_wait3A_107, %dma_wait3A_108] : memref<2x128x16xf32, #tpu.memory_space<vmem>> -> memref<1x128x16xf32, #tpu.memory_space<vmem>>
      %dma_wait3A_110 = tpu.memref_squeeze %dma_wait3A_109 : memref<1x128x16xf32, #tpu.memory_space<vmem>> -> memref<128x16xf32, #tpu.memory_space<vmem>>
      %dma_wait3A_111 = arith.constant 0 : i32
      %dma_wait3A_112 = tpu.memref_slice %arg6[%add3A_105, %dma_wait3A_111] : memref<99x128xi32, #tpu.memory_space<vmem>> -> memref<1x128xi32, #tpu.memory_space<vmem>>
      %dma_wait3A_113 = tpu.memref_squeeze %dma_wait3A_112 : memref<1x128xi32, #tpu.memory_space<vmem>> -> memref<128xi32, #tpu.memory_space<vmem>>
      %dma_wait3A_114 = arith.constant 0 : i32
      %dma_wait3A_115 = arith.constant 0 : i32
      %dma_wait3A_116 = tpu.memref_slice %arg2[%dma_wait3A_114, %dma_wait3A_115] : memref<10112x16xf32, #tpu.memory_space<hbm>> -> memref<10112x16xf32, #tpu.memory_space<hbm>>
      tpu.wait_indirect_dma semaphore(%arg11 : memref<!tpu.dma_semaphore, #tpu.memory_space<semaphore_mem>>) src(%dma_wait3A_116 : memref<10112x16xf32, #tpu.memory_space<hbm>>) dst(%dma_wait3A_110 : memref<128x16xf32, #tpu.memory_space<vmem>>)
      %add3A_117 = arith.constant 1 : i32
      %add3A_118 = arith.addi %add3A_105, %add3A_117 : i32
      %dma_start3A_119 = arith.constant 0 : i32
      %dma_start3A_120 = arith.constant 0 : i32
      %dma_start3A_121 = arith.constant 0 : i32
      %dma_start3A_122 = tpu.memref_slice %arg8[%dma_start3A_119, %dma_start3A_120, %dma_start3A_121] : memref<2x128x16xf32, #tpu.memory_space<vmem>> -> memref<1x128x16xf32, #tpu.memory_space<vmem>>
      %dma_start3A_123 = tpu.memref_squeeze %dma_start3A_122 : memref<1x128x16xf32, #tpu.memory_space<vmem>> -> memref<128x16xf32, #tpu.memory_space<vmem>>
      %dma_start3A_124 = arith.constant 0 : i32
      %dma_start3A_125 = tpu.memref_slice %arg6[%add3A_118, %dma_start3A_124] : memref<99x128xi32, #tpu.memory_space<vmem>> -> memref<1x128xi32, #tpu.memory_space<vmem>>
      %dma_start3A_126 = tpu.memref_squeeze %dma_start3A_125 : memref<1x128xi32, #tpu.memory_space<vmem>> -> memref<128xi32, #tpu.memory_space<vmem>>
      %dma_start3A_127 = arith.constant 0 : i32
      %dma_start3A_128 = arith.constant 0 : i32
      %dma_start3A_129 = tpu.memref_slice %arg2[%dma_start3A_127, %dma_start3A_128] : memref<10112x16xf32, #tpu.memory_space<hbm>> -> memref<10112x16xf32, #tpu.memory_space<hbm>>
      tpu.enqueue_indirect_dma source(%dma_start3A_129 : memref<10112x16xf32, #tpu.memory_space<hbm>>) target(%dma_start3A_123 : memref<128x16xf32, #tpu.memory_space<vmem>>) offsets(%dma_start3A_126 : memref<128xi32, #tpu.memory_space<vmem>>) semaphore(%arg11 : memref<!tpu.dma_semaphore, #tpu.memory_space<semaphore_mem>>)
      %run_scoped3A_130 = arith.constant 1 : i32
      "tpu.region"() ({
        %run_scoped3A_132 = tpu.sem_alloc : memref<!tpu.dma_semaphore, #tpu.memory_space<semaphore_mem>>
        %dma_start3A_133 = arith.constant 0 : i32
        %dma_start3A_134 = arith.constant 0 : i32
        %dma_start3A_135 = tpu.memref_slice %arg8[%run_scoped3A_130, %dma_start3A_133, %dma_start3A_134] : memref<2x128x16xf32, #tpu.memory_space<vmem>> -> memref<1x128x16xf32, #tpu.memory_space<vmem>>
        %dma_start3A_136 = tpu.memref_squeeze %dma_start3A_135 : memref<1x128x16xf32, #tpu.memory_space<vmem>> -> memref<128x16xf32, #tpu.memory_space<vmem>>
        %dma_start3A_137 = arith.constant 0 : i32
        %dma_start3A_138 = tpu.memref_slice %arg7[%add3A_105, %dma_start3A_137] : memref<99x128xi32, #tpu.memory_space<vmem>> -> memref<1x128xi32, #tpu.memory_space<vmem>>
        %dma_start3A_139 = tpu.memref_squeeze %dma_start3A_138 : memref<1x128xi32, #tpu.memory_space<vmem>> -> memref<128xi32, #tpu.memory_space<vmem>>
        %dma_start3A_140 = arith.constant 0 : i32
        %dma_start3A_141 = arith.constant 0 : i32
        %dma_start3A_142 = tpu.memref_slice %arg10[%dma_start3A_140, %dma_start3A_141] : memref<10112x16xf32, #tpu.memory_space<vmem_shared>> -> memref<10112x16xf32, #tpu.memory_space<vmem_shared>>
        tpu.enqueue_indirect_dma source(%dma_start3A_136 : memref<128x16xf32, #tpu.memory_space<vmem>>) target(%dma_start3A_142 : memref<10112x16xf32, #tpu.memory_space<vmem_shared>>) offsets(%dma_start3A_139 : memref<128xi32, #tpu.memory_space<vmem>>) semaphore(%run_scoped3A_132 : memref<!tpu.dma_semaphore, #tpu.memory_space<semaphore_mem>>) {add = true}
        %dma_wait3A_143 = arith.constant 0 : i32
        %dma_wait3A_144 = arith.constant 0 : i32
        %dma_wait3A_145 = tpu.memref_slice %arg8[%run_scoped3A_130, %dma_wait3A_143, %dma_wait3A_144] : memref<2x128x16xf32, #tpu.memory_space<vmem>> -> memref<1x128x16xf32, #tpu.memory_space<vmem>>
        %dma_wait3A_146 = tpu.memref_squeeze %dma_wait3A_145 : memref<1x128x16xf32, #tpu.memory_space<vmem>> -> memref<128x16xf32, #tpu.memory_space<vmem>>
        %dma_wait3A_147 = arith.constant 0 : i32
        %dma_wait3A_148 = tpu.memref_slice %arg7[%add3A_105, %dma_wait3A_147] : memref<99x128xi32, #tpu.memory_space<vmem>> -> memref<1x128xi32, #tpu.memory_space<vmem>>
        %dma_wait3A_149 = tpu.memref_squeeze %dma_wait3A_148 : memref<1x128xi32, #tpu.memory_space<vmem>> -> memref<128xi32, #tpu.memory_space<vmem>>
        %dma_wait3A_150 = arith.constant 0 : i32
        %dma_wait3A_151 = arith.constant 0 : i32
        %dma_wait3A_152 = tpu.memref_slice %arg10[%dma_wait3A_150, %dma_wait3A_151] : memref<10112x16xf32, #tpu.memory_space<vmem_shared>> -> memref<10112x16xf32, #tpu.memory_space<vmem_shared>>
        tpu.wait_indirect_dma semaphore(%run_scoped3A_132 : memref<!tpu.dma_semaphore, #tpu.memory_space<semaphore_mem>>) src(%dma_wait3A_146 : memref<128x16xf32, #tpu.memory_space<vmem>>) dst(%dma_wait3A_152 : memref<10112x16xf32, #tpu.memory_space<vmem_shared>>)
        tpu.yield
      }) : () -> ()
      %while3A_131 = arith.constant 0 : i32
      scf.yield %while3A_131 : i32
    }
    %while3A_55 = arith.constant 1 : i32
    %while3A_56 = scf.for %while3A_72 = %while3A_52 to %while3A_48 step %while3A_55 iter_args(%while3A_73 = %while3A_54) -> (i32)  : i32 {
      %mul3A_74 = arith.constant 2 : i32
      %mul3A_75 = arith.muli %while3A_72, %mul3A_74 : i32
      %add3A_76 = arith.constant 0 : i32
      %add3A_77 = arith.addi %mul3A_75, %add3A_76 : i32
      %dma_wait3A_78 = arith.constant 0 : i32
      %dma_wait3A_79 = arith.constant 0 : i32
      %dma_wait3A_80 = arith.constant 0 : i32
      %dma_wait3A_81 = tpu.memref_slice %arg8[%dma_wait3A_78, %dma_wait3A_79, %dma_wait3A_80] : memref<2x128x16xf32, #tpu.memory_space<vmem>> -> memref<1x128x16xf32, #tpu.memory_space<vmem>>
      %dma_wait3A_82 = tpu.memref_squeeze %dma_wait3A_81 : memref<1x128x16xf32, #tpu.memory_space<vmem>> -> memref<128x16xf32, #tpu.memory_space<vmem>>
      %dma_wait3A_83 = arith.constant 0 : i32
      %dma_wait3A_84 = tpu.memref_slice %arg6[%add3A_77, %dma_wait3A_83] : memref<99x128xi32, #tpu.memory_space<vmem>> -> memref<1x128xi32, #tpu.memory_space<vmem>>
      %dma_wait3A_85 = tpu.memref_squeeze %dma_wait3A_84 : memref<1x128xi32, #tpu.memory_space<vmem>> -> memref<128xi32, #tpu.memory_space<vmem>>
      %dma_wait3A_86 = arith.constant 0 : i32
      %dma_wait3A_87 = arith.constant 0 : i32
      %dma_wait3A_88 = tpu.memref_slice %arg2[%dma_wait3A_86, %dma_wait3A_87] : memref<10112x16xf32, #tpu.memory_space<hbm>> -> memref<10112x16xf32, #tpu.memory_space<hbm>>
      tpu.wait_indirect_dma semaphore(%arg11 : memref<!tpu.dma_semaphore, #tpu.memory_space<semaphore_mem>>) src(%dma_wait3A_88 : memref<10112x16xf32, #tpu.memory_space<hbm>>) dst(%dma_wait3A_82 : memref<128x16xf32, #tpu.memory_space<vmem>>)
      %add3A_89 = arith.constant 1 : i32
      %add3A_90 = arith.addi %add3A_77, %add3A_89 : i32
      %dma_start3A_91 = arith.constant 1 : i32
      %dma_start3A_92 = arith.constant 0 : i32
      %dma_start3A_93 = arith.constant 0 : i32
      %dma_start3A_94 = tpu.memref_slice %arg8[%dma_start3A_91, %dma_start3A_92, %dma_start3A_93] : memref<2x128x16xf32, #tpu.memory_space<vmem>> -> memref<1x128x16xf32, #tpu.memory_space<vmem>>
      %dma_start3A_95 = tpu.memref_squeeze %dma_start3A_94 : memref<1x128x16xf32, #tpu.memory_space<vmem>> -> memref<128x16xf32, #tpu.memory_space<vmem>>
      %dma_start3A_96 = arith.constant 0 : i32
      %dma_start3A_97 = tpu.memref_slice %arg6[%add3A_90, %dma_start3A_96] : memref<99x128xi32, #tpu.memory_space<vmem>> -> memref<1x128xi32, #tpu.memory_space<vmem>>
      %dma_start3A_98 = tpu.memref_squeeze %dma_start3A_97 : memref<1x128xi32, #tpu.memory_space<vmem>> -> memref<128xi32, #tpu.memory_space<vmem>>
      %dma_start3A_99 = arith.constant 0 : i32
      %dma_start3A_100 = arith.constant 0 : i32
      %dma_start3A_101 = tpu.memref_slice %arg2[%dma_start3A_99, %dma_start3A_100] : memref<10112x16xf32, #tpu.memory_space<hbm>> -> memref<10112x16xf32, #tpu.memory_space<hbm>>
      tpu.enqueue_indirect_dma source(%dma_start3A_101 : memref<10112x16xf32, #tpu.memory_space<hbm>>) target(%dma_start3A_95 : memref<128x16xf32, #tpu.memory_space<vmem>>) offsets(%dma_start3A_98 : memref<128xi32, #tpu.memory_space<vmem>>) semaphore(%arg11 : memref<!tpu.dma_semaphore, #tpu.memory_space<semaphore_mem>>)
      %run_scoped3A = arith.constant 0 : i32
      "tpu.region"() ({
        %run_scoped3A_132 = tpu.sem_alloc : memref<!tpu.dma_semaphore, #tpu.memory_space<semaphore_mem>>
        %dma_start3A_133 = arith.constant 0 : i32
        %dma_start3A_134 = arith.constant 0 : i32
        %dma_start3A_135 = tpu.memref_slice %arg8[%run_scoped3A, %dma_start3A_133, %dma_start3A_134] : memref<2x128x16xf32, #tpu.memory_space<vmem>> -> memref<1x128x16xf32, #tpu.memory_space<vmem>>
        %dma_start3A_136 = tpu.memref_squeeze %dma_start3A_135 : memref<1x128x16xf32, #tpu.memory_space<vmem>> -> memref<128x16xf32, #tpu.memory_space<vmem>>
        %dma_start3A_137 = arith.constant 0 : i32
        %dma_start3A_138 = tpu.memref_slice %arg7[%add3A_77, %dma_start3A_137] : memref<99x128xi32, #tpu.memory_space<vmem>> -> memref<1x128xi32, #tpu.memory_space<vmem>>
        %dma_start3A_139 = tpu.memref_squeeze %dma_start3A_138 : memref<1x128xi32, #tpu.memory_space<vmem>> -> memref<128xi32, #tpu.memory_space<vmem>>
        %dma_start3A_140 = arith.constant 0 : i32
        %dma_start3A_141 = arith.constant 0 : i32
        %dma_start3A_142 = tpu.memref_slice %arg10[%dma_start3A_140, %dma_start3A_141] : memref<10112x16xf32, #tpu.memory_space<vmem_shared>> -> memref<10112x16xf32, #tpu.memory_space<vmem_shared>>
        tpu.enqueue_indirect_dma source(%dma_start3A_136 : memref<128x16xf32, #tpu.memory_space<vmem>>) target(%dma_start3A_142 : memref<10112x16xf32, #tpu.memory_space<vmem_shared>>) offsets(%dma_start3A_139 : memref<128xi32, #tpu.memory_space<vmem>>) semaphore(%run_scoped3A_132 : memref<!tpu.dma_semaphore, #tpu.memory_space<semaphore_mem>>) {add = true}
        %dma_wait3A_143 = arith.constant 0 : i32
        %dma_wait3A_144 = arith.constant 0 : i32
        %dma_wait3A_145 = tpu.memref_slice %arg8[%run_scoped3A, %dma_wait3A_143, %dma_wait3A_144] : memref<2x128x16xf32, #tpu.memory_space<vmem>> -> memref<1x128x16xf32, #tpu.memory_space<vmem>>
        %dma_wait3A_146 = tpu.memref_squeeze %dma_wait3A_145 : memref<1x128x16xf32, #tpu.memory_space<vmem>> -> memref<128x16xf32, #tpu.memory_space<vmem>>
        %dma_wait3A_147 = arith.constant 0 : i32
        %dma_wait3A_148 = tpu.memref_slice %arg7[%add3A_77, %dma_wait3A_147] : memref<99x128xi32, #tpu.memory_space<vmem>> -> memref<1x128xi32, #tpu.memory_space<vmem>>
        %dma_wait3A_149 = tpu.memref_squeeze %dma_wait3A_148 : memref<1x128xi32, #tpu.memory_space<vmem>> -> memref<128xi32, #tpu.memory_space<vmem>>
        %dma_wait3A_150 = arith.constant 0 : i32
        %dma_wait3A_151 = arith.constant 0 : i32
        %dma_wait3A_152 = tpu.memref_slice %arg10[%dma_wait3A_150, %dma_wait3A_151] : memref<10112x16xf32, #tpu.memory_space<vmem_shared>> -> memref<10112x16xf32, #tpu.memory_space<vmem_shared>>
        tpu.wait_indirect_dma semaphore(%run_scoped3A_132 : memref<!tpu.dma_semaphore, #tpu.memory_space<semaphore_mem>>) src(%dma_wait3A_146 : memref<128x16xf32, #tpu.memory_space<vmem>>) dst(%dma_wait3A_152 : memref<10112x16xf32, #tpu.memory_space<vmem_shared>>)
        tpu.yield
      }) : () -> ()
      %mul3A_102 = arith.constant 2 : i32
      %mul3A_103 = arith.muli %while3A_72, %mul3A_102 : i32
      %add3A_104 = arith.constant 1 : i32
      %add3A_105 = arith.addi %mul3A_103, %add3A_104 : i32
      %dma_wait3A_106 = arith.constant 1 : i32
      %dma_wait3A_107 = arith.constant 0 : i32
      %dma_wait3A_108 = arith.constant 0 : i32
      %dma_wait3A_109 = tpu.memref_slice %arg8[%dma_wait3A_106, %dma_wait3A_107, %dma_wait3A_108] : memref<2x128x16xf32, #tpu.memory_space<vmem>> -> memref<1x128x16xf32, #tpu.memory_space<vmem>>
      %dma_wait3A_110 = tpu.memref_squeeze %dma_wait3A_109 : memref<1x128x16xf32, #tpu.memory_space<vmem>> -> memref<128x16xf32, #tpu.memory_space<vmem>>
      %dma_wait3A_111 = arith.constant 0 : i32
      %dma_wait3A_112 = tpu.memref_slice %arg6[%add3A_105, %dma_wait3A_111] : memref<99x128xi32, #tpu.memory_space<vmem>> -> memref<1x128xi32, #tpu.memory_space<vmem>>
      %dma_wait3A_113 = tpu.memref_squeeze %dma_wait3A_112 : memref<1x128xi32, #tpu.memory_space<vmem>> -> memref<128xi32, #tpu.memory_space<vmem>>
      %dma_wait3A_114 = arith.constant 0 : i32
      %dma_wait3A_115 = arith.constant 0 : i32
      %dma_wait3A_116 = tpu.memref_slice %arg2[%dma_wait3A_114, %dma_wait3A_115] : memref<10112x16xf32, #tpu.memory_space<hbm>> -> memref<10112x16xf32, #tpu.memory_space<hbm>>
      tpu.wait_indirect_dma semaphore(%arg11 : memref<!tpu.dma_semaphore, #tpu.memory_space<semaphore_mem>>) src(%dma_wait3A_116 : memref<10112x16xf32, #tpu.memory_space<hbm>>) dst(%dma_wait3A_110 : memref<128x16xf32, #tpu.memory_space<vmem>>)
      %add3A_117 = arith.constant 1 : i32
      %add3A_118 = arith.addi %add3A_105, %add3A_117 : i32
      %dma_start3A_119 = arith.constant 0 : i32
      %dma_start3A_120 = arith.constant 0 : i32
      %dma_start3A_121 = arith.constant 0 : i32
      %dma_start3A_122 = tpu.memref_slice %arg8[%dma_start3A_119, %dma_start3A_120, %dma_start3A_121] : memref<2x128x16xf32, #tpu.memory_space<vmem>> -> memref<1x128x16xf32, #tpu.memory_space<vmem>>
      %dma_start3A_123 = tpu.memref_squeeze %dma_start3A_122 : memref<1x128x16xf32, #tpu.memory_space<vmem>> -> memref<128x16xf32, #tpu.memory_space<vmem>>
      %dma_start3A_124 = arith.constant 0 : i32
      %dma_start3A_125 = tpu.memref_slice %arg6[%add3A_118, %dma_start3A_124] : memref<99x128xi32, #tpu.memory_space<vmem>> -> memref<1x128xi32, #tpu.memory_space<vmem>>
      %dma_start3A_126 = tpu.memref_squeeze %dma_start3A_125 : memref<1x128xi32, #tpu.memory_space<vmem>> -> memref<128xi32, #tpu.memory_space<vmem>>
      %dma_start3A_127 = arith.constant 0 : i32
      %dma_start3A_128 = arith.constant 0 : i32
      %dma_start3A_129 = tpu.memref_slice %arg2[%dma_start3A_127, %dma_start3A_128] : memref<10112x16xf32, #tpu.memory_space<hbm>> -> memref<10112x16xf32, #tpu.memory_space<hbm>>
      tpu.enqueue_indirect_dma source(%dma_start3A_129 : memref<10112x16xf32, #tpu.memory_space<hbm>>) target(%dma_start3A_123 : memref<128x16xf32, #tpu.memory_space<vmem>>) offsets(%dma_start3A_126 : memref<128xi32, #tpu.memory_space<vmem>>) semaphore(%arg11 : memref<!tpu.dma_semaphore, #tpu.memory_space<semaphore_mem>>)
      %run_scoped3A_130 = arith.constant 1 : i32
      "tpu.region"() ({
        %run_scoped3A_132 = tpu.sem_alloc : memref<!tpu.dma_semaphore, #tpu.memory_space<semaphore_mem>>
        %dma_start3A_133 = arith.constant 0 : i32
        %dma_start3A_134 = arith.constant 0 : i32
        %dma_start3A_135 = tpu.memref_slice %arg8[%run_scoped3A_130, %dma_start3A_133, %dma_start3A_134] : memref<2x128x16xf32, #tpu.memory_space<vmem>> -> memref<1x128x16xf32, #tpu.memory_space<vmem>>
        %dma_start3A_136 = tpu.memref_squeeze %dma_start3A_135 : memref<1x128x16xf32, #tpu.memory_space<vmem>> -> memref<128x16xf32, #tpu.memory_space<vmem>>
        %dma_start3A_137 = arith.constant 0 : i32
        %dma_start3A_138 = tpu.memref_slice %arg7[%add3A_105, %dma_start3A_137] : memref<99x128xi32, #tpu.memory_space<vmem>> -> memref<1x128xi32, #tpu.memory_space<vmem>>
        %dma_start3A_139 = tpu.memref_squeeze %dma_start3A_138 : memref<1x128xi32, #tpu.memory_space<vmem>> -> memref<128xi32, #tpu.memory_space<vmem>>
        %dma_start3A_140 = arith.constant 0 : i32
        %dma_start3A_141 = arith.constant 0 : i32
        %dma_start3A_142 = tpu.memref_slice %arg10[%dma_start3A_140, %dma_start3A_141] : memref<10112x16xf32, #tpu.memory_space<vmem_shared>> -> memref<10112x16xf32, #tpu.memory_space<vmem_shared>>
        tpu.enqueue_indirect_dma source(%dma_start3A_136 : memref<128x16xf32, #tpu.memory_space<vmem>>) target(%dma_start3A_142 : memref<10112x16xf32, #tpu.memory_space<vmem_shared>>) offsets(%dma_start3A_139 : memref<128xi32, #tpu.memory_space<vmem>>) semaphore(%run_scoped3A_132 : memref<!tpu.dma_semaphore, #tpu.memory_space<semaphore_mem>>) {add = true}
        %dma_wait3A_143 = arith.constant 0 : i32
        %dma_wait3A_144 = arith.constant 0 : i32
        %dma_wait3A_145 = tpu.memref_slice %arg8[%run_scoped3A_130, %dma_wait3A_143, %dma_wait3A_144] : memref<2x128x16xf32, #tpu.memory_space<vmem>> -> memref<1x128x16xf32, #tpu.memory_space<vmem>>
        %dma_wait3A_146 = tpu.memref_squeeze %dma_wait3A_145 : memref<1x128x16xf32, #tpu.memory_space<vmem>> -> memref<128x16xf32, #tpu.memory_space<vmem>>
        %dma_wait3A_147 = arith.constant 0 : i32
        %dma_wait3A_148 = tpu.memref_slice %arg7[%add3A_105, %dma_wait3A_147] : memref<99x128xi32, #tpu.memory_space<vmem>> -> memref<1x128xi32, #tpu.memory_space<vmem>>
        %dma_wait3A_149 = tpu.memref_squeeze %dma_wait3A_148 : memref<1x128xi32, #tpu.memory_space<vmem>> -> memref<128xi32, #tpu.memory_space<vmem>>
        %dma_wait3A_150 = arith.constant 0 : i32
        %dma_wait3A_151 = arith.constant 0 : i32
        %dma_wait3A_152 = tpu.memref_slice %arg10[%dma_wait3A_150, %dma_wait3A_151] : memref<10112x16xf32, #tpu.memory_space<vmem_shared>> -> memref<10112x16xf32, #tpu.memory_space<vmem_shared>>
        tpu.wait_indirect_dma semaphore(%run_scoped3A_132 : memref<!tpu.dma_semaphore, #tpu.memory_space<semaphore_mem>>) src(%dma_wait3A_146 : memref<128x16xf32, #tpu.memory_space<vmem>>) dst(%dma_wait3A_152 : memref<10112x16xf32, #tpu.memory_space<vmem_shared>>)
        tpu.yield
      }) : () -> ()
      %while3A_131 = arith.constant 0 : i32
      scf.yield %while3A_131 : i32
    }
    %dma_wait3A = arith.constant 0 : i32
    %dma_wait3A_57 = arith.constant 0 : i32
    %dma_wait3A_58 = arith.constant 0 : i32
    %dma_wait3A_59 = tpu.memref_slice %arg8[%dma_wait3A, %dma_wait3A_57, %dma_wait3A_58] : memref<2x128x16xf32, #tpu.memory_space<vmem>> -> memref<1x128x16xf32, #tpu.memory_space<vmem>>
    %dma_wait3A_60 = tpu.memref_squeeze %dma_wait3A_59 : memref<1x128x16xf32, #tpu.memory_space<vmem>> -> memref<128x16xf32, #tpu.memory_space<vmem>>
    %dma_wait3A_61 = arith.constant 0 : i32
    %dma_wait3A_62 = tpu.memref_slice %arg6[%select_n3A_8, %dma_wait3A_61] : memref<99x128xi32, #tpu.memory_space<vmem>> -> memref<1x128xi32, #tpu.memory_space<vmem>>
    %dma_wait3A_63 = tpu.memref_squeeze %dma_wait3A_62 : memref<1x128xi32, #tpu.memory_space<vmem>> -> memref<128xi32, #tpu.memory_space<vmem>>
    %dma_wait3A_64 = arith.constant 0 : i32
    %dma_wait3A_65 = arith.constant 0 : i32
    %dma_wait3A_66 = tpu.memref_slice %arg2[%dma_wait3A_64, %dma_wait3A_65] : memref<10112x16xf32, #tpu.memory_space<hbm>> -> memref<10112x16xf32, #tpu.memory_space<hbm>>
    tpu.wait_indirect_dma semaphore(%arg11 : memref<!tpu.dma_semaphore, #tpu.memory_space<semaphore_mem>>) src(%dma_wait3A_66 : memref<10112x16xf32, #tpu.memory_space<hbm>>) dst(%dma_wait3A_60 : memref<128x16xf32, #tpu.memory_space<vmem>>)
    %barrier3A_67 = arith.constant 0 : index
    tpu.barrier barrier_id(%barrier3A_67)
    %mul3A_68 = arith.constant 632 : i32
    %mul3A_69 = arith.muli %arg1, %mul3A_68 : i32
    %mul3A_70 = arith.constant 632 : i32
    %mul3A_71 = arith.muli %arg1, %mul3A_70 : i32
    "tpu.region"() ({
      %run_scoped3A = tpu.sem_alloc : memref<!tpu.dma_semaphore, #tpu.memory_space<semaphore_mem>>
      %dma_start3A_72 = arith.constant 0 : i32
      %dma_start3A_73 = tpu.memref_slice %arg5[%arg0, %mul3A_71, %dma_start3A_72] : memref<2x10112x16xf32, #tpu.memory_space<hbm>> -> memref<1x632x16xf32, #tpu.memory_space<hbm>>
      %dma_start3A_74 = tpu.memref_squeeze %dma_start3A_73 : memref<1x632x16xf32, #tpu.memory_space<hbm>> -> memref<632x16xf32, #tpu.memory_space<hbm>>
      %dma_start3A_75 = arith.constant 0 : i32
      %dma_start3A_76 = tpu.memref_slice %arg10[%mul3A_69, %dma_start3A_75] : memref<10112x16xf32, #tpu.memory_space<vmem_shared>> -> memref<632x16xf32, #tpu.memory_space<vmem_shared>>
      tpu.enqueue_dma source(%dma_start3A_76 : memref<632x16xf32, #tpu.memory_space<vmem_shared>>) target(%dma_start3A_74 : memref<632x16xf32, #tpu.memory_space<hbm>>) target_semaphore(%run_scoped3A : memref<!tpu.dma_semaphore, #tpu.memory_space<semaphore_mem>>)
      %dma_wait3A_77 = arith.constant 0 : i32
      %dma_wait3A_78 = tpu.memref_slice %arg5[%arg0, %mul3A_71, %dma_wait3A_77] : memref<2x10112x16xf32, #tpu.memory_space<hbm>> -> memref<1x632x16xf32, #tpu.memory_space<hbm>>
      %dma_wait3A_79 = tpu.memref_squeeze %dma_wait3A_78 : memref<1x632x16xf32, #tpu.memory_space<hbm>> -> memref<632x16xf32, #tpu.memory_space<hbm>>
      %dma_wait3A_80 = arith.constant 0 : i32
      %dma_wait3A_81 = tpu.memref_slice %arg10[%mul3A_69, %dma_wait3A_80] : memref<10112x16xf32, #tpu.memory_space<vmem_shared>> -> memref<632x16xf32, #tpu.memory_space<vmem_shared>>
      tpu.wait_dma2 semaphore(%run_scoped3A : memref<!tpu.dma_semaphore, #tpu.memory_space<semaphore_mem>>) src(%dma_wait3A_81 : memref<632x16xf32, #tpu.memory_space<vmem_shared>>) dst(%dma_wait3A_79 : memref<632x16xf32, #tpu.memory_space<hbm>>)
      tpu.yield
    }) : () -> ()
    return
  }
}

#map = affine_map<(d0, d1) -> (0, 0)>
#map1 = affine_map<(d0, d1) -> (0, 0, 0)>
module attributes {stable_mosaic.version = 14 : i64} {
  func.func @_agg_body(%arg0: i32, %arg1: i32, %arg2: memref<10112x16xf32, #tpu.memory_space<hbm>>, %arg3: memref<2659x128xi32, #tpu.memory_space<hbm>>, %arg4: memref<2659x128xi32, #tpu.memory_space<hbm>>, %arg5: memref<2x10112x16xf32, #tpu.memory_space<hbm>>, %arg6: memref<99x128xi32, #tpu.memory_space<vmem>>, %arg7: memref<99x128xi32, #tpu.memory_space<vmem>>, %arg8: memref<2x128x16xf32, #tpu.memory_space<vmem>>, %arg9: memref<632x16xf32, #tpu.memory_space<vmem>>, %arg10: memref<10112x16xf32, #tpu.memory_space<vmem_shared>>, %arg11: memref<!tpu.dma_semaphore, #tpu.memory_space<semaphore_mem>>) attributes {dimension_semantics = [#tpu.dimension_semantics<core_parallel>, #tpu.dimension_semantics<subcore_parallel>], iteration_bounds = array<i64: 2, 16>, scalar_prefetch = 0 : i64, scratch_operands = 6 : i64, tpu.core_type = #tpu.core_type<sc_vector_subcore>, window_params = [{transform_indices = #map}, {transform_indices = #map}, {transform_indices = #map}, {transform_indices = #map1}]} {
    %eq3A = arith.constant 0 : i32
    %eq3A_0 = arith.cmpi eq, %arg0, %eq3A : i32
    %mul3A = arith.constant 98 : i32
    %mul3A_1 = arith.muli %arg1, %mul3A : i32
    %mul3A_2 = arith.constant 62 : i32
    %mul3A_3 = arith.muli %arg1, %mul3A_2 : i32
    %add3A = arith.constant 1568 : i32
    %add3A_4 = arith.addi %add3A, %mul3A_3 : i32
    %select_n3A = arith.select %eq3A_0, %mul3A_1, %add3A_4 : i32
    %eq3A_5 = arith.constant 0 : i32
    %eq3A_6 = arith.cmpi eq, %arg0, %eq3A_5 : i32
    %jit3A = arith.constant 98 : i32
    %jit3A_7 = arith.constant 62 : i32
    %select_n3A_8 = arith.select %eq3A_6, %jit3A, %jit3A_7 : i32
    %scan3A = arith.constant 0 : i32
    %scan3A_9 = arith.constant 0 : i32
    %scan3A_10 = arith.constant 632 : i32
    %scan3A_11 = arith.addi %scan3A_9, %scan3A_10 : i32
    %scan3A_12 = arith.constant 1 : i32
    %scan3A_13 = scf.for %scan3A_72 = %scan3A_9 to %scan3A_11 step %scan3A_12 iter_args(%scan3A_73 = %scan3A) -> (i32)  : i32 {
      %broadcast_in_dim3A = arith.constant 0.000000e+00 : f32
      %broadcast_in_dim3A_74 = vector.broadcast %broadcast_in_dim3A : f32 to vector<16xf32>
      %swap3A = arith.index_cast %scan3A_72 : i32 to index
      %swap3A_75 = arith.constant 0 : index
      %swap3A_76 = tpu.vector_load %arg9[%swap3A, %swap3A_75] {strides = array<i32>} : memref<632x16xf32, #tpu.memory_space<vmem>>, vector<1x16xf32>,
      %swap3A_77 = vector.shape_cast %swap3A_76 : vector<1x16xf32> to vector<16xf32>
      %swap3A_78 = vector.shape_cast %broadcast_in_dim3A_74 : vector<16xf32> to vector<1x16xf32>
      tpu.vector_store %arg9[%swap3A, %swap3A_75], %swap3A_78 {strides = array<i32>} : memref<632x16xf32, #tpu.memory_space<vmem>>, vector<1x16xf32>,
      %scan3A_79 = arith.constant 0 : i32
      scf.yield %scan3A_79 : i32
    }
    %scan3A_14 = arith.constant 632 : i32
    %mul3A_15 = arith.constant 632 : i32
    %mul3A_16 = arith.muli %arg1, %mul3A_15 : i32
    "tpu.region"() ({
      %run_scoped3A = tpu.sem_alloc : memref<!tpu.dma_semaphore, #tpu.memory_space<semaphore_mem>>
      %dma_start3A_72 = arith.constant 0 : i32
      %dma_start3A_73 = tpu.memref_slice %arg10[%mul3A_16, %dma_start3A_72] : memref<10112x16xf32, #tpu.memory_space<vmem_shared>> -> memref<632x16xf32, #tpu.memory_space<vmem_shared>>
      %dma_start3A_74 = arith.constant 0 : i32
      %dma_start3A_75 = tpu.memref_slice %arg10[%mul3A_16, %dma_start3A_74] : memref<10112x16xf32, #tpu.memory_space<vmem_shared>> -> memref<632x16xf32, #tpu.memory_space<vmem_shared>>
      tpu.enqueue_dma source(%arg9 : memref<632x16xf32, #tpu.memory_space<vmem>>) target(%dma_start3A_75 : memref<632x16xf32, #tpu.memory_space<vmem_shared>>) target_semaphore(%run_scoped3A : memref<!tpu.dma_semaphore, #tpu.memory_space<semaphore_mem>>)
      %dma_wait3A_76 = arith.constant 0 : i32
      %dma_wait3A_77 = tpu.memref_slice %arg10[%mul3A_16, %dma_wait3A_76] : memref<10112x16xf32, #tpu.memory_space<vmem_shared>> -> memref<632x16xf32, #tpu.memory_space<vmem_shared>>
      %dma_wait3A_78 = arith.constant 0 : i32
      %dma_wait3A_79 = tpu.memref_slice %arg10[%mul3A_16, %dma_wait3A_78] : memref<10112x16xf32, #tpu.memory_space<vmem_shared>> -> memref<632x16xf32, #tpu.memory_space<vmem_shared>>
      tpu.wait_dma2 semaphore(%run_scoped3A : memref<!tpu.dma_semaphore, #tpu.memory_space<semaphore_mem>>) src(%arg9 : memref<632x16xf32, #tpu.memory_space<vmem>>) dst(%dma_wait3A_79 : memref<632x16xf32, #tpu.memory_space<vmem_shared>>)
      tpu.yield
    }) : () -> ()
    "tpu.region"() ({
      %run_scoped3A = tpu.sem_alloc : memref<!tpu.dma_semaphore, #tpu.memory_space<semaphore_mem>>
      %dma_start3A_72 = arith.constant 0 : i32
      %dma_start3A_73 = tpu.memref_slice %arg3[%select_n3A, %dma_start3A_72] : memref<2659x128xi32, #tpu.memory_space<hbm>> -> memref<99x128xi32, #tpu.memory_space<hbm>>
      %dma_start3A_74 = arith.constant 0 : i32
      %dma_start3A_75 = tpu.memref_slice %arg3[%select_n3A, %dma_start3A_74] : memref<2659x128xi32, #tpu.memory_space<hbm>> -> memref<99x128xi32, #tpu.memory_space<hbm>>
      tpu.enqueue_dma source(%dma_start3A_75 : memref<99x128xi32, #tpu.memory_space<hbm>>) target(%arg6 : memref<99x128xi32, #tpu.memory_space<vmem>>) target_semaphore(%run_scoped3A : memref<!tpu.dma_semaphore, #tpu.memory_space<semaphore_mem>>)
      %dma_wait3A_76 = arith.constant 0 : i32
      %dma_wait3A_77 = tpu.memref_slice %arg3[%select_n3A, %dma_wait3A_76] : memref<2659x128xi32, #tpu.memory_space<hbm>> -> memref<99x128xi32, #tpu.memory_space<hbm>>
      %dma_wait3A_78 = arith.constant 0 : i32
      %dma_wait3A_79 = tpu.memref_slice %arg3[%select_n3A, %dma_wait3A_78] : memref<2659x128xi32, #tpu.memory_space<hbm>> -> memref<99x128xi32, #tpu.memory_space<hbm>>
      tpu.wait_dma2 semaphore(%run_scoped3A : memref<!tpu.dma_semaphore, #tpu.memory_space<semaphore_mem>>) src(%dma_wait3A_79 : memref<99x128xi32, #tpu.memory_space<hbm>>) dst(%arg6 : memref<99x128xi32, #tpu.memory_space<vmem>>)
      tpu.yield
    }) : () -> ()
    "tpu.region"() ({
      %run_scoped3A = tpu.sem_alloc : memref<!tpu.dma_semaphore, #tpu.memory_space<semaphore_mem>>
      %dma_start3A_72 = arith.constant 0 : i32
      %dma_start3A_73 = tpu.memref_slice %arg4[%select_n3A, %dma_start3A_72] : memref<2659x128xi32, #tpu.memory_space<hbm>> -> memref<99x128xi32, #tpu.memory_space<hbm>>
      %dma_start3A_74 = arith.constant 0 : i32
      %dma_start3A_75 = tpu.memref_slice %arg4[%select_n3A, %dma_start3A_74] : memref<2659x128xi32, #tpu.memory_space<hbm>> -> memref<99x128xi32, #tpu.memory_space<hbm>>
      tpu.enqueue_dma source(%dma_start3A_75 : memref<99x128xi32, #tpu.memory_space<hbm>>) target(%arg7 : memref<99x128xi32, #tpu.memory_space<vmem>>) target_semaphore(%run_scoped3A : memref<!tpu.dma_semaphore, #tpu.memory_space<semaphore_mem>>)
      %dma_wait3A_76 = arith.constant 0 : i32
      %dma_wait3A_77 = tpu.memref_slice %arg4[%select_n3A, %dma_wait3A_76] : memref<2659x128xi32, #tpu.memory_space<hbm>> -> memref<99x128xi32, #tpu.memory_space<hbm>>
      %dma_wait3A_78 = arith.constant 0 : i32
      %dma_wait3A_79 = tpu.memref_slice %arg4[%select_n3A, %dma_wait3A_78] : memref<2659x128xi32, #tpu.memory_space<hbm>> -> memref<99x128xi32, #tpu.memory_space<hbm>>
      tpu.wait_dma2 semaphore(%run_scoped3A : memref<!tpu.dma_semaphore, #tpu.memory_space<semaphore_mem>>) src(%dma_wait3A_79 : memref<99x128xi32, #tpu.memory_space<hbm>>) dst(%arg7 : memref<99x128xi32, #tpu.memory_space<vmem>>)
      tpu.yield
    }) : () -> ()
    %barrier3A = arith.constant 0 : index
    tpu.barrier barrier_id(%barrier3A)
    %dma_start3A = arith.constant 0 : i32
    %dma_start3A_17 = arith.constant 0 : i32
    %dma_start3A_18 = arith.constant 0 : i32
    %dma_start3A_19 = arith.constant 0 : i32
    %dma_start3A_20 = tpu.memref_slice %arg8[%dma_start3A_17, %dma_start3A_18, %dma_start3A_19] : memref<2x128x16xf32, #tpu.memory_space<vmem>> -> memref<1x128x16xf32, #tpu.memory_space<vmem>>
    %dma_start3A_21 = tpu.memref_squeeze %dma_start3A_20 : memref<1x128x16xf32, #tpu.memory_space<vmem>> -> memref<128x16xf32, #tpu.memory_space<vmem>>
    %dma_start3A_22 = arith.constant 0 : i32
    %dma_start3A_23 = tpu.memref_slice %arg6[%dma_start3A, %dma_start3A_22] : memref<99x128xi32, #tpu.memory_space<vmem>> -> memref<1x128xi32, #tpu.memory_space<vmem>>
    %dma_start3A_24 = tpu.memref_squeeze %dma_start3A_23 : memref<1x128xi32, #tpu.memory_space<vmem>> -> memref<128xi32, #tpu.memory_space<vmem>>
    %dma_start3A_25 = arith.constant 0 : i32
    %dma_start3A_26 = arith.constant 0 : i32
    %dma_start3A_27 = tpu.memref_slice %arg2[%dma_start3A_25, %dma_start3A_26] : memref<10112x16xf32, #tpu.memory_space<hbm>> -> memref<10112x16xf32, #tpu.memory_space<hbm>>
    tpu.enqueue_indirect_dma source(%dma_start3A_27 : memref<10112x16xf32, #tpu.memory_space<hbm>>) target(%dma_start3A_21 : memref<128x16xf32, #tpu.memory_space<vmem>>) offsets(%dma_start3A_24 : memref<128xi32, #tpu.memory_space<vmem>>) semaphore(%arg11 : memref<!tpu.dma_semaphore, #tpu.memory_space<semaphore_mem>>)
    %jit3A_28 = arith.constant 2 : i32
    %div3A = arith.divsi %select_n3A_8, %jit3A_28 : i32
    %sign3A = arith.constant 0 : i32
    %sign3A_29 = arith.cmpi sgt, %select_n3A_8, %sign3A : i32
    %sign3A_30 = arith.extui %sign3A_29 : i1 to i32
    %sign3A_31 = arith.constant 0 : i32
    %sign3A_32 = arith.cmpi slt, %select_n3A_8, %sign3A_31 : i32
    %sign3A_33 = arith.extui %sign3A_32 : i1 to i32
    %sign3A_34 = arith.subi %sign3A_30, %sign3A_33 : i32
    %sign3A_35 = arith.constant 0 : i32
    %sign3A_36 = arith.cmpi sgt, %jit3A_28, %sign3A_35 : i32
    %sign3A_37 = arith.extui %sign3A_36 : i1 to i32
    %sign3A_38 = arith.constant 0 : i32
    %sign3A_39 = arith.cmpi slt, %jit3A_28, %sign3A_38 : i32
    %sign3A_40 = arith.extui %sign3A_39 : i1 to i32
    %sign3A_41 = arith.subi %sign3A_37, %sign3A_40 : i32
    %ne3A = arith.cmpi ne, %sign3A_34, %sign3A_41 : i32
    %rem3A = arith.remsi %select_n3A_8, %jit3A_28 : i32
    %ne3A_42 = arith.constant 0 : i32
    %ne3A_43 = arith.cmpi ne, %rem3A, %ne3A_42 : i32
    %and3A = arith.andi %ne3A, %ne3A_43 : i1
    %sub3A = arith.constant 1 : i32
    %sub3A_44 = arith.subi %div3A, %sub3A : i32
    %select_n3A_45 = arith.select %and3A, %sub3A_44, %div3A : i32
    %while3A = arith.constant 0 : i32
    %while3A_46 = arith.constant 0 : i32
    %while3A_47 = arith.subi %select_n3A_45, %while3A : i32
    %while3A_48 = arith.addi %while3A, %while3A_47 : i32
    %while3A_49 = arith.constant 1 : i32
    %while3A_50 = arith.divsi %while3A_47, %while3A_49 : i32
    %while3A_51 = arith.muli %while3A_50, %while3A_49 : i32
    %while3A_52 = arith.addi %while3A, %while3A_51 : i32
    %while3A_53 = arith.constant 1 : i32
    %while3A_54 = scf.for %while3A_72 = %while3A to %while3A_52 step %while3A_53 iter_args(%while3A_73 = %while3A_46) -> (i32)  : i32 {
      %mul3A_74 = arith.constant 2 : i32
      %mul3A_75 = arith.muli %while3A_72, %mul3A_74 : i32
      %add3A_76 = arith.constant 0 : i32
      %add3A_77 = arith.addi %mul3A_75, %add3A_76 : i32
      %dma_wait3A_78 = arith.constant 0 : i32
      %dma_wait3A_79 = arith.constant 0 : i32
      %dma_wait3A_80 = arith.constant 0 : i32
      %dma_wait3A_81 = tpu.memref_slice %arg8[%dma_wait3A_78, %dma_wait3A_79, %dma_wait3A_80] : memref<2x128x16xf32, #tpu.memory_space<vmem>> -> memref<1x128x16xf32, #tpu.memory_space<vmem>>
      %dma_wait3A_82 = tpu.memref_squeeze %dma_wait3A_81 : memref<1x128x16xf32, #tpu.memory_space<vmem>> -> memref<128x16xf32, #tpu.memory_space<vmem>>
      %dma_wait3A_83 = arith.constant 0 : i32
      %dma_wait3A_84 = tpu.memref_slice %arg6[%add3A_77, %dma_wait3A_83] : memref<99x128xi32, #tpu.memory_space<vmem>> -> memref<1x128xi32, #tpu.memory_space<vmem>>
      %dma_wait3A_85 = tpu.memref_squeeze %dma_wait3A_84 : memref<1x128xi32, #tpu.memory_space<vmem>> -> memref<128xi32, #tpu.memory_space<vmem>>
      %dma_wait3A_86 = arith.constant 0 : i32
      %dma_wait3A_87 = arith.constant 0 : i32
      %dma_wait3A_88 = tpu.memref_slice %arg2[%dma_wait3A_86, %dma_wait3A_87] : memref<10112x16xf32, #tpu.memory_space<hbm>> -> memref<10112x16xf32, #tpu.memory_space<hbm>>
      tpu.wait_indirect_dma semaphore(%arg11 : memref<!tpu.dma_semaphore, #tpu.memory_space<semaphore_mem>>) src(%dma_wait3A_88 : memref<10112x16xf32, #tpu.memory_space<hbm>>) dst(%dma_wait3A_82 : memref<128x16xf32, #tpu.memory_space<vmem>>)
      %add3A_89 = arith.constant 1 : i32
      %add3A_90 = arith.addi %add3A_77, %add3A_89 : i32
      %dma_start3A_91 = arith.constant 1 : i32
      %dma_start3A_92 = arith.constant 0 : i32
      %dma_start3A_93 = arith.constant 0 : i32
      %dma_start3A_94 = tpu.memref_slice %arg8[%dma_start3A_91, %dma_start3A_92, %dma_start3A_93] : memref<2x128x16xf32, #tpu.memory_space<vmem>> -> memref<1x128x16xf32, #tpu.memory_space<vmem>>
      %dma_start3A_95 = tpu.memref_squeeze %dma_start3A_94 : memref<1x128x16xf32, #tpu.memory_space<vmem>> -> memref<128x16xf32, #tpu.memory_space<vmem>>
      %dma_start3A_96 = arith.constant 0 : i32
      %dma_start3A_97 = tpu.memref_slice %arg6[%add3A_90, %dma_start3A_96] : memref<99x128xi32, #tpu.memory_space<vmem>> -> memref<1x128xi32, #tpu.memory_space<vmem>>
      %dma_start3A_98 = tpu.memref_squeeze %dma_start3A_97 : memref<1x128xi32, #tpu.memory_space<vmem>> -> memref<128xi32, #tpu.memory_space<vmem>>
      %dma_start3A_99 = arith.constant 0 : i32
      %dma_start3A_100 = arith.constant 0 : i32
      %dma_start3A_101 = tpu.memref_slice %arg2[%dma_start3A_99, %dma_start3A_100] : memref<10112x16xf32, #tpu.memory_space<hbm>> -> memref<10112x16xf32, #tpu.memory_space<hbm>>
      tpu.enqueue_indirect_dma source(%dma_start3A_101 : memref<10112x16xf32, #tpu.memory_space<hbm>>) target(%dma_start3A_95 : memref<128x16xf32, #tpu.memory_space<vmem>>) offsets(%dma_start3A_98 : memref<128xi32, #tpu.memory_space<vmem>>) semaphore(%arg11 : memref<!tpu.dma_semaphore, #tpu.memory_space<semaphore_mem>>)
      %run_scoped3A = arith.constant 0 : i32
      "tpu.region"() ({
        %run_scoped3A_132 = tpu.sem_alloc : memref<!tpu.dma_semaphore, #tpu.memory_space<semaphore_mem>>
        %dma_start3A_133 = arith.constant 0 : i32
        %dma_start3A_134 = arith.constant 0 : i32
        %dma_start3A_135 = tpu.memref_slice %arg8[%run_scoped3A, %dma_start3A_133, %dma_start3A_134] : memref<2x128x16xf32, #tpu.memory_space<vmem>> -> memref<1x128x16xf32, #tpu.memory_space<vmem>>
        %dma_start3A_136 = tpu.memref_squeeze %dma_start3A_135 : memref<1x128x16xf32, #tpu.memory_space<vmem>> -> memref<128x16xf32, #tpu.memory_space<vmem>>
        %dma_start3A_137 = arith.constant 0 : i32
        %dma_start3A_138 = tpu.memref_slice %arg7[%add3A_77, %dma_start3A_137] : memref<99x128xi32, #tpu.memory_space<vmem>> -> memref<1x128xi32, #tpu.memory_space<vmem>>
        %dma_start3A_139 = tpu.memref_squeeze %dma_start3A_138 : memref<1x128xi32, #tpu.memory_space<vmem>> -> memref<128xi32, #tpu.memory_space<vmem>>
        %dma_start3A_140 = arith.constant 0 : i32
        %dma_start3A_141 = arith.constant 0 : i32
        %dma_start3A_142 = tpu.memref_slice %arg10[%dma_start3A_140, %dma_start3A_141] : memref<10112x16xf32, #tpu.memory_space<vmem_shared>> -> memref<10112x16xf32, #tpu.memory_space<vmem_shared>>
        tpu.enqueue_indirect_dma source(%dma_start3A_136 : memref<128x16xf32, #tpu.memory_space<vmem>>) target(%dma_start3A_142 : memref<10112x16xf32, #tpu.memory_space<vmem_shared>>) offsets(%dma_start3A_139 : memref<128xi32, #tpu.memory_space<vmem>>) semaphore(%run_scoped3A_132 : memref<!tpu.dma_semaphore, #tpu.memory_space<semaphore_mem>>) {add = true}
        %dma_wait3A_143 = arith.constant 0 : i32
        %dma_wait3A_144 = arith.constant 0 : i32
        %dma_wait3A_145 = tpu.memref_slice %arg8[%run_scoped3A, %dma_wait3A_143, %dma_wait3A_144] : memref<2x128x16xf32, #tpu.memory_space<vmem>> -> memref<1x128x16xf32, #tpu.memory_space<vmem>>
        %dma_wait3A_146 = tpu.memref_squeeze %dma_wait3A_145 : memref<1x128x16xf32, #tpu.memory_space<vmem>> -> memref<128x16xf32, #tpu.memory_space<vmem>>
        %dma_wait3A_147 = arith.constant 0 : i32
        %dma_wait3A_148 = tpu.memref_slice %arg7[%add3A_77, %dma_wait3A_147] : memref<99x128xi32, #tpu.memory_space<vmem>> -> memref<1x128xi32, #tpu.memory_space<vmem>>
        %dma_wait3A_149 = tpu.memref_squeeze %dma_wait3A_148 : memref<1x128xi32, #tpu.memory_space<vmem>> -> memref<128xi32, #tpu.memory_space<vmem>>
        %dma_wait3A_150 = arith.constant 0 : i32
        %dma_wait3A_151 = arith.constant 0 : i32
        %dma_wait3A_152 = tpu.memref_slice %arg10[%dma_wait3A_150, %dma_wait3A_151] : memref<10112x16xf32, #tpu.memory_space<vmem_shared>> -> memref<10112x16xf32, #tpu.memory_space<vmem_shared>>
        tpu.wait_indirect_dma semaphore(%run_scoped3A_132 : memref<!tpu.dma_semaphore, #tpu.memory_space<semaphore_mem>>) src(%dma_wait3A_146 : memref<128x16xf32, #tpu.memory_space<vmem>>) dst(%dma_wait3A_152 : memref<10112x16xf32, #tpu.memory_space<vmem_shared>>)
        tpu.yield
      }) : () -> ()
      %mul3A_102 = arith.constant 2 : i32
      %mul3A_103 = arith.muli %while3A_72, %mul3A_102 : i32
      %add3A_104 = arith.constant 1 : i32
      %add3A_105 = arith.addi %mul3A_103, %add3A_104 : i32
      %dma_wait3A_106 = arith.constant 1 : i32
      %dma_wait3A_107 = arith.constant 0 : i32
      %dma_wait3A_108 = arith.constant 0 : i32
      %dma_wait3A_109 = tpu.memref_slice %arg8[%dma_wait3A_106, %dma_wait3A_107, %dma_wait3A_108] : memref<2x128x16xf32, #tpu.memory_space<vmem>> -> memref<1x128x16xf32, #tpu.memory_space<vmem>>
      %dma_wait3A_110 = tpu.memref_squeeze %dma_wait3A_109 : memref<1x128x16xf32, #tpu.memory_space<vmem>> -> memref<128x16xf32, #tpu.memory_space<vmem>>
      %dma_wait3A_111 = arith.constant 0 : i32
      %dma_wait3A_112 = tpu.memref_slice %arg6[%add3A_105, %dma_wait3A_111] : memref<99x128xi32, #tpu.memory_space<vmem>> -> memref<1x128xi32, #tpu.memory_space<vmem>>
      %dma_wait3A_113 = tpu.memref_squeeze %dma_wait3A_112 : memref<1x128xi32, #tpu.memory_space<vmem>> -> memref<128xi32, #tpu.memory_space<vmem>>
      %dma_wait3A_114 = arith.constant 0 : i32
      %dma_wait3A_115 = arith.constant 0 : i32
      %dma_wait3A_116 = tpu.memref_slice %arg2[%dma_wait3A_114, %dma_wait3A_115] : memref<10112x16xf32, #tpu.memory_space<hbm>> -> memref<10112x16xf32, #tpu.memory_space<hbm>>
      tpu.wait_indirect_dma semaphore(%arg11 : memref<!tpu.dma_semaphore, #tpu.memory_space<semaphore_mem>>) src(%dma_wait3A_116 : memref<10112x16xf32, #tpu.memory_space<hbm>>) dst(%dma_wait3A_110 : memref<128x16xf32, #tpu.memory_space<vmem>>)
      %add3A_117 = arith.constant 1 : i32
      %add3A_118 = arith.addi %add3A_105, %add3A_117 : i32
      %dma_start3A_119 = arith.constant 0 : i32
      %dma_start3A_120 = arith.constant 0 : i32
      %dma_start3A_121 = arith.constant 0 : i32
      %dma_start3A_122 = tpu.memref_slice %arg8[%dma_start3A_119, %dma_start3A_120, %dma_start3A_121] : memref<2x128x16xf32, #tpu.memory_space<vmem>> -> memref<1x128x16xf32, #tpu.memory_space<vmem>>
      %dma_start3A_123 = tpu.memref_squeeze %dma_start3A_122 : memref<1x128x16xf32, #tpu.memory_space<vmem>> -> memref<128x16xf32, #tpu.memory_space<vmem>>
      %dma_start3A_124 = arith.constant 0 : i32
      %dma_start3A_125 = tpu.memref_slice %arg6[%add3A_118, %dma_start3A_124] : memref<99x128xi32, #tpu.memory_space<vmem>> -> memref<1x128xi32, #tpu.memory_space<vmem>>
      %dma_start3A_126 = tpu.memref_squeeze %dma_start3A_125 : memref<1x128xi32, #tpu.memory_space<vmem>> -> memref<128xi32, #tpu.memory_space<vmem>>
      %dma_start3A_127 = arith.constant 0 : i32
      %dma_start3A_128 = arith.constant 0 : i32
      %dma_start3A_129 = tpu.memref_slice %arg2[%dma_start3A_127, %dma_start3A_128] : memref<10112x16xf32, #tpu.memory_space<hbm>> -> memref<10112x16xf32, #tpu.memory_space<hbm>>
      tpu.enqueue_indirect_dma source(%dma_start3A_129 : memref<10112x16xf32, #tpu.memory_space<hbm>>) target(%dma_start3A_123 : memref<128x16xf32, #tpu.memory_space<vmem>>) offsets(%dma_start3A_126 : memref<128xi32, #tpu.memory_space<vmem>>) semaphore(%arg11 : memref<!tpu.dma_semaphore, #tpu.memory_space<semaphore_mem>>)
      %run_scoped3A_130 = arith.constant 1 : i32
      "tpu.region"() ({
        %run_scoped3A_132 = tpu.sem_alloc : memref<!tpu.dma_semaphore, #tpu.memory_space<semaphore_mem>>
        %dma_start3A_133 = arith.constant 0 : i32
        %dma_start3A_134 = arith.constant 0 : i32
        %dma_start3A_135 = tpu.memref_slice %arg8[%run_scoped3A_130, %dma_start3A_133, %dma_start3A_134] : memref<2x128x16xf32, #tpu.memory_space<vmem>> -> memref<1x128x16xf32, #tpu.memory_space<vmem>>
        %dma_start3A_136 = tpu.memref_squeeze %dma_start3A_135 : memref<1x128x16xf32, #tpu.memory_space<vmem>> -> memref<128x16xf32, #tpu.memory_space<vmem>>
        %dma_start3A_137 = arith.constant 0 : i32
        %dma_start3A_138 = tpu.memref_slice %arg7[%add3A_105, %dma_start3A_137] : memref<99x128xi32, #tpu.memory_space<vmem>> -> memref<1x128xi32, #tpu.memory_space<vmem>>
        %dma_start3A_139 = tpu.memref_squeeze %dma_start3A_138 : memref<1x128xi32, #tpu.memory_space<vmem>> -> memref<128xi32, #tpu.memory_space<vmem>>
        %dma_start3A_140 = arith.constant 0 : i32
        %dma_start3A_141 = arith.constant 0 : i32
        %dma_start3A_142 = tpu.memref_slice %arg10[%dma_start3A_140, %dma_start3A_141] : memref<10112x16xf32, #tpu.memory_space<vmem_shared>> -> memref<10112x16xf32, #tpu.memory_space<vmem_shared>>
        tpu.enqueue_indirect_dma source(%dma_start3A_136 : memref<128x16xf32, #tpu.memory_space<vmem>>) target(%dma_start3A_142 : memref<10112x16xf32, #tpu.memory_space<vmem_shared>>) offsets(%dma_start3A_139 : memref<128xi32, #tpu.memory_space<vmem>>) semaphore(%run_scoped3A_132 : memref<!tpu.dma_semaphore, #tpu.memory_space<semaphore_mem>>) {add = true}
        %dma_wait3A_143 = arith.constant 0 : i32
        %dma_wait3A_144 = arith.constant 0 : i32
        %dma_wait3A_145 = tpu.memref_slice %arg8[%run_scoped3A_130, %dma_wait3A_143, %dma_wait3A_144] : memref<2x128x16xf32, #tpu.memory_space<vmem>> -> memref<1x128x16xf32, #tpu.memory_space<vmem>>
        %dma_wait3A_146 = tpu.memref_squeeze %dma_wait3A_145 : memref<1x128x16xf32, #tpu.memory_space<vmem>> -> memref<128x16xf32, #tpu.memory_space<vmem>>
        %dma_wait3A_147 = arith.constant 0 : i32
        %dma_wait3A_148 = tpu.memref_slice %arg7[%add3A_105, %dma_wait3A_147] : memref<99x128xi32, #tpu.memory_space<vmem>> -> memref<1x128xi32, #tpu.memory_space<vmem>>
        %dma_wait3A_149 = tpu.memref_squeeze %dma_wait3A_148 : memref<1x128xi32, #tpu.memory_space<vmem>> -> memref<128xi32, #tpu.memory_space<vmem>>
        %dma_wait3A_150 = arith.constant 0 : i32
        %dma_wait3A_151 = arith.constant 0 : i32
        %dma_wait3A_152 = tpu.memref_slice %arg10[%dma_wait3A_150, %dma_wait3A_151] : memref<10112x16xf32, #tpu.memory_space<vmem_shared>> -> memref<10112x16xf32, #tpu.memory_space<vmem_shared>>
        tpu.wait_indirect_dma semaphore(%run_scoped3A_132 : memref<!tpu.dma_semaphore, #tpu.memory_space<semaphore_mem>>) src(%dma_wait3A_146 : memref<128x16xf32, #tpu.memory_space<vmem>>) dst(%dma_wait3A_152 : memref<10112x16xf32, #tpu.memory_space<vmem_shared>>)
        tpu.yield
      }) : () -> ()
      %while3A_131 = arith.constant 0 : i32
      scf.yield %while3A_131 : i32
    }
    %while3A_55 = arith.constant 1 : i32
    %while3A_56 = scf.for %while3A_72 = %while3A_52 to %while3A_48 step %while3A_55 iter_args(%while3A_73 = %while3A_54) -> (i32)  : i32 {
      %mul3A_74 = arith.constant 2 : i32
      %mul3A_75 = arith.muli %while3A_72, %mul3A_74 : i32
      %add3A_76 = arith.constant 0 : i32
      %add3A_77 = arith.addi %mul3A_75, %add3A_76 : i32
      %dma_wait3A_78 = arith.constant 0 : i32
      %dma_wait3A_79 = arith.constant 0 : i32
      %dma_wait3A_80 = arith.constant 0 : i32
      %dma_wait3A_81 = tpu.memref_slice %arg8[%dma_wait3A_78, %dma_wait3A_79, %dma_wait3A_80] : memref<2x128x16xf32, #tpu.memory_space<vmem>> -> memref<1x128x16xf32, #tpu.memory_space<vmem>>
      %dma_wait3A_82 = tpu.memref_squeeze %dma_wait3A_81 : memref<1x128x16xf32, #tpu.memory_space<vmem>> -> memref<128x16xf32, #tpu.memory_space<vmem>>
      %dma_wait3A_83 = arith.constant 0 : i32
      %dma_wait3A_84 = tpu.memref_slice %arg6[%add3A_77, %dma_wait3A_83] : memref<99x128xi32, #tpu.memory_space<vmem>> -> memref<1x128xi32, #tpu.memory_space<vmem>>
      %dma_wait3A_85 = tpu.memref_squeeze %dma_wait3A_84 : memref<1x128xi32, #tpu.memory_space<vmem>> -> memref<128xi32, #tpu.memory_space<vmem>>
      %dma_wait3A_86 = arith.constant 0 : i32
      %dma_wait3A_87 = arith.constant 0 : i32
      %dma_wait3A_88 = tpu.memref_slice %arg2[%dma_wait3A_86, %dma_wait3A_87] : memref<10112x16xf32, #tpu.memory_space<hbm>> -> memref<10112x16xf32, #tpu.memory_space<hbm>>
      tpu.wait_indirect_dma semaphore(%arg11 : memref<!tpu.dma_semaphore, #tpu.memory_space<semaphore_mem>>) src(%dma_wait3A_88 : memref<10112x16xf32, #tpu.memory_space<hbm>>) dst(%dma_wait3A_82 : memref<128x16xf32, #tpu.memory_space<vmem>>)
      %add3A_89 = arith.constant 1 : i32
      %add3A_90 = arith.addi %add3A_77, %add3A_89 : i32
      %dma_start3A_91 = arith.constant 1 : i32
      %dma_start3A_92 = arith.constant 0 : i32
      %dma_start3A_93 = arith.constant 0 : i32
      %dma_start3A_94 = tpu.memref_slice %arg8[%dma_start3A_91, %dma_start3A_92, %dma_start3A_93] : memref<2x128x16xf32, #tpu.memory_space<vmem>> -> memref<1x128x16xf32, #tpu.memory_space<vmem>>
      %dma_start3A_95 = tpu.memref_squeeze %dma_start3A_94 : memref<1x128x16xf32, #tpu.memory_space<vmem>> -> memref<128x16xf32, #tpu.memory_space<vmem>>
      %dma_start3A_96 = arith.constant 0 : i32
      %dma_start3A_97 = tpu.memref_slice %arg6[%add3A_90, %dma_start3A_96] : memref<99x128xi32, #tpu.memory_space<vmem>> -> memref<1x128xi32, #tpu.memory_space<vmem>>
      %dma_start3A_98 = tpu.memref_squeeze %dma_start3A_97 : memref<1x128xi32, #tpu.memory_space<vmem>> -> memref<128xi32, #tpu.memory_space<vmem>>
      %dma_start3A_99 = arith.constant 0 : i32
      %dma_start3A_100 = arith.constant 0 : i32
      %dma_start3A_101 = tpu.memref_slice %arg2[%dma_start3A_99, %dma_start3A_100] : memref<10112x16xf32, #tpu.memory_space<hbm>> -> memref<10112x16xf32, #tpu.memory_space<hbm>>
      tpu.enqueue_indirect_dma source(%dma_start3A_101 : memref<10112x16xf32, #tpu.memory_space<hbm>>) target(%dma_start3A_95 : memref<128x16xf32, #tpu.memory_space<vmem>>) offsets(%dma_start3A_98 : memref<128xi32, #tpu.memory_space<vmem>>) semaphore(%arg11 : memref<!tpu.dma_semaphore, #tpu.memory_space<semaphore_mem>>)
      %run_scoped3A = arith.constant 0 : i32
      "tpu.region"() ({
        %run_scoped3A_132 = tpu.sem_alloc : memref<!tpu.dma_semaphore, #tpu.memory_space<semaphore_mem>>
        %dma_start3A_133 = arith.constant 0 : i32
        %dma_start3A_134 = arith.constant 0 : i32
        %dma_start3A_135 = tpu.memref_slice %arg8[%run_scoped3A, %dma_start3A_133, %dma_start3A_134] : memref<2x128x16xf32, #tpu.memory_space<vmem>> -> memref<1x128x16xf32, #tpu.memory_space<vmem>>
        %dma_start3A_136 = tpu.memref_squeeze %dma_start3A_135 : memref<1x128x16xf32, #tpu.memory_space<vmem>> -> memref<128x16xf32, #tpu.memory_space<vmem>>
        %dma_start3A_137 = arith.constant 0 : i32
        %dma_start3A_138 = tpu.memref_slice %arg7[%add3A_77, %dma_start3A_137] : memref<99x128xi32, #tpu.memory_space<vmem>> -> memref<1x128xi32, #tpu.memory_space<vmem>>
        %dma_start3A_139 = tpu.memref_squeeze %dma_start3A_138 : memref<1x128xi32, #tpu.memory_space<vmem>> -> memref<128xi32, #tpu.memory_space<vmem>>
        %dma_start3A_140 = arith.constant 0 : i32
        %dma_start3A_141 = arith.constant 0 : i32
        %dma_start3A_142 = tpu.memref_slice %arg10[%dma_start3A_140, %dma_start3A_141] : memref<10112x16xf32, #tpu.memory_space<vmem_shared>> -> memref<10112x16xf32, #tpu.memory_space<vmem_shared>>
        tpu.enqueue_indirect_dma source(%dma_start3A_136 : memref<128x16xf32, #tpu.memory_space<vmem>>) target(%dma_start3A_142 : memref<10112x16xf32, #tpu.memory_space<vmem_shared>>) offsets(%dma_start3A_139 : memref<128xi32, #tpu.memory_space<vmem>>) semaphore(%run_scoped3A_132 : memref<!tpu.dma_semaphore, #tpu.memory_space<semaphore_mem>>) {add = true}
        %dma_wait3A_143 = arith.constant 0 : i32
        %dma_wait3A_144 = arith.constant 0 : i32
        %dma_wait3A_145 = tpu.memref_slice %arg8[%run_scoped3A, %dma_wait3A_143, %dma_wait3A_144] : memref<2x128x16xf32, #tpu.memory_space<vmem>> -> memref<1x128x16xf32, #tpu.memory_space<vmem>>
        %dma_wait3A_146 = tpu.memref_squeeze %dma_wait3A_145 : memref<1x128x16xf32, #tpu.memory_space<vmem>> -> memref<128x16xf32, #tpu.memory_space<vmem>>
        %dma_wait3A_147 = arith.constant 0 : i32
        %dma_wait3A_148 = tpu.memref_slice %arg7[%add3A_77, %dma_wait3A_147] : memref<99x128xi32, #tpu.memory_space<vmem>> -> memref<1x128xi32, #tpu.memory_space<vmem>>
        %dma_wait3A_149 = tpu.memref_squeeze %dma_wait3A_148 : memref<1x128xi32, #tpu.memory_space<vmem>> -> memref<128xi32, #tpu.memory_space<vmem>>
        %dma_wait3A_150 = arith.constant 0 : i32
        %dma_wait3A_151 = arith.constant 0 : i32
        %dma_wait3A_152 = tpu.memref_slice %arg10[%dma_wait3A_150, %dma_wait3A_151] : memref<10112x16xf32, #tpu.memory_space<vmem_shared>> -> memref<10112x16xf32, #tpu.memory_space<vmem_shared>>
        tpu.wait_indirect_dma semaphore(%run_scoped3A_132 : memref<!tpu.dma_semaphore, #tpu.memory_space<semaphore_mem>>) src(%dma_wait3A_146 : memref<128x16xf32, #tpu.memory_space<vmem>>) dst(%dma_wait3A_152 : memref<10112x16xf32, #tpu.memory_space<vmem_shared>>)
        tpu.yield
      }) : () -> ()
      %mul3A_102 = arith.constant 2 : i32
      %mul3A_103 = arith.muli %while3A_72, %mul3A_102 : i32
      %add3A_104 = arith.constant 1 : i32
      %add3A_105 = arith.addi %mul3A_103, %add3A_104 : i32
      %dma_wait3A_106 = arith.constant 1 : i32
      %dma_wait3A_107 = arith.constant 0 : i32
      %dma_wait3A_108 = arith.constant 0 : i32
      %dma_wait3A_109 = tpu.memref_slice %arg8[%dma_wait3A_106, %dma_wait3A_107, %dma_wait3A_108] : memref<2x128x16xf32, #tpu.memory_space<vmem>> -> memref<1x128x16xf32, #tpu.memory_space<vmem>>
      %dma_wait3A_110 = tpu.memref_squeeze %dma_wait3A_109 : memref<1x128x16xf32, #tpu.memory_space<vmem>> -> memref<128x16xf32, #tpu.memory_space<vmem>>
      %dma_wait3A_111 = arith.constant 0 : i32
      %dma_wait3A_112 = tpu.memref_slice %arg6[%add3A_105, %dma_wait3A_111] : memref<99x128xi32, #tpu.memory_space<vmem>> -> memref<1x128xi32, #tpu.memory_space<vmem>>
      %dma_wait3A_113 = tpu.memref_squeeze %dma_wait3A_112 : memref<1x128xi32, #tpu.memory_space<vmem>> -> memref<128xi32, #tpu.memory_space<vmem>>
      %dma_wait3A_114 = arith.constant 0 : i32
      %dma_wait3A_115 = arith.constant 0 : i32
      %dma_wait3A_116 = tpu.memref_slice %arg2[%dma_wait3A_114, %dma_wait3A_115] : memref<10112x16xf32, #tpu.memory_space<hbm>> -> memref<10112x16xf32, #tpu.memory_space<hbm>>
      tpu.wait_indirect_dma semaphore(%arg11 : memref<!tpu.dma_semaphore, #tpu.memory_space<semaphore_mem>>) src(%dma_wait3A_116 : memref<10112x16xf32, #tpu.memory_space<hbm>>) dst(%dma_wait3A_110 : memref<128x16xf32, #tpu.memory_space<vmem>>)
      %add3A_117 = arith.constant 1 : i32
      %add3A_118 = arith.addi %add3A_105, %add3A_117 : i32
      %dma_start3A_119 = arith.constant 0 : i32
      %dma_start3A_120 = arith.constant 0 : i32
      %dma_start3A_121 = arith.constant 0 : i32
      %dma_start3A_122 = tpu.memref_slice %arg8[%dma_start3A_119, %dma_start3A_120, %dma_start3A_121] : memref<2x128x16xf32, #tpu.memory_space<vmem>> -> memref<1x128x16xf32, #tpu.memory_space<vmem>>
      %dma_start3A_123 = tpu.memref_squeeze %dma_start3A_122 : memref<1x128x16xf32, #tpu.memory_space<vmem>> -> memref<128x16xf32, #tpu.memory_space<vmem>>
      %dma_start3A_124 = arith.constant 0 : i32
      %dma_start3A_125 = tpu.memref_slice %arg6[%add3A_118, %dma_start3A_124] : memref<99x128xi32, #tpu.memory_space<vmem>> -> memref<1x128xi32, #tpu.memory_space<vmem>>
      %dma_start3A_126 = tpu.memref_squeeze %dma_start3A_125 : memref<1x128xi32, #tpu.memory_space<vmem>> -> memref<128xi32, #tpu.memory_space<vmem>>
      %dma_start3A_127 = arith.constant 0 : i32
      %dma_start3A_128 = arith.constant 0 : i32
      %dma_start3A_129 = tpu.memref_slice %arg2[%dma_start3A_127, %dma_start3A_128] : memref<10112x16xf32, #tpu.memory_space<hbm>> -> memref<10112x16xf32, #tpu.memory_space<hbm>>
      tpu.enqueue_indirect_dma source(%dma_start3A_129 : memref<10112x16xf32, #tpu.memory_space<hbm>>) target(%dma_start3A_123 : memref<128x16xf32, #tpu.memory_space<vmem>>) offsets(%dma_start3A_126 : memref<128xi32, #tpu.memory_space<vmem>>) semaphore(%arg11 : memref<!tpu.dma_semaphore, #tpu.memory_space<semaphore_mem>>)
      %run_scoped3A_130 = arith.constant 1 : i32
      "tpu.region"() ({
        %run_scoped3A_132 = tpu.sem_alloc : memref<!tpu.dma_semaphore, #tpu.memory_space<semaphore_mem>>
        %dma_start3A_133 = arith.constant 0 : i32
        %dma_start3A_134 = arith.constant 0 : i32
        %dma_start3A_135 = tpu.memref_slice %arg8[%run_scoped3A_130, %dma_start3A_133, %dma_start3A_134] : memref<2x128x16xf32, #tpu.memory_space<vmem>> -> memref<1x128x16xf32, #tpu.memory_space<vmem>>
        %dma_start3A_136 = tpu.memref_squeeze %dma_start3A_135 : memref<1x128x16xf32, #tpu.memory_space<vmem>> -> memref<128x16xf32, #tpu.memory_space<vmem>>
        %dma_start3A_137 = arith.constant 0 : i32
        %dma_start3A_138 = tpu.memref_slice %arg7[%add3A_105, %dma_start3A_137] : memref<99x128xi32, #tpu.memory_space<vmem>> -> memref<1x128xi32, #tpu.memory_space<vmem>>
        %dma_start3A_139 = tpu.memref_squeeze %dma_start3A_138 : memref<1x128xi32, #tpu.memory_space<vmem>> -> memref<128xi32, #tpu.memory_space<vmem>>
        %dma_start3A_140 = arith.constant 0 : i32
        %dma_start3A_141 = arith.constant 0 : i32
        %dma_start3A_142 = tpu.memref_slice %arg10[%dma_start3A_140, %dma_start3A_141] : memref<10112x16xf32, #tpu.memory_space<vmem_shared>> -> memref<10112x16xf32, #tpu.memory_space<vmem_shared>>
        tpu.enqueue_indirect_dma source(%dma_start3A_136 : memref<128x16xf32, #tpu.memory_space<vmem>>) target(%dma_start3A_142 : memref<10112x16xf32, #tpu.memory_space<vmem_shared>>) offsets(%dma_start3A_139 : memref<128xi32, #tpu.memory_space<vmem>>) semaphore(%run_scoped3A_132 : memref<!tpu.dma_semaphore, #tpu.memory_space<semaphore_mem>>) {add = true}
        %dma_wait3A_143 = arith.constant 0 : i32
        %dma_wait3A_144 = arith.constant 0 : i32
        %dma_wait3A_145 = tpu.memref_slice %arg8[%run_scoped3A_130, %dma_wait3A_143, %dma_wait3A_144] : memref<2x128x16xf32, #tpu.memory_space<vmem>> -> memref<1x128x16xf32, #tpu.memory_space<vmem>>
        %dma_wait3A_146 = tpu.memref_squeeze %dma_wait3A_145 : memref<1x128x16xf32, #tpu.memory_space<vmem>> -> memref<128x16xf32, #tpu.memory_space<vmem>>
        %dma_wait3A_147 = arith.constant 0 : i32
        %dma_wait3A_148 = tpu.memref_slice %arg7[%add3A_105, %dma_wait3A_147] : memref<99x128xi32, #tpu.memory_space<vmem>> -> memref<1x128xi32, #tpu.memory_space<vmem>>
        %dma_wait3A_149 = tpu.memref_squeeze %dma_wait3A_148 : memref<1x128xi32, #tpu.memory_space<vmem>> -> memref<128xi32, #tpu.memory_space<vmem>>
        %dma_wait3A_150 = arith.constant 0 : i32
        %dma_wait3A_151 = arith.constant 0 : i32
        %dma_wait3A_152 = tpu.memref_slice %arg10[%dma_wait3A_150, %dma_wait3A_151] : memref<10112x16xf32, #tpu.memory_space<vmem_shared>> -> memref<10112x16xf32, #tpu.memory_space<vmem_shared>>
        tpu.wait_indirect_dma semaphore(%run_scoped3A_132 : memref<!tpu.dma_semaphore, #tpu.memory_space<semaphore_mem>>) src(%dma_wait3A_146 : memref<128x16xf32, #tpu.memory_space<vmem>>) dst(%dma_wait3A_152 : memref<10112x16xf32, #tpu.memory_space<vmem_shared>>)
        tpu.yield
      }) : () -> ()
      %while3A_131 = arith.constant 0 : i32
      scf.yield %while3A_131 : i32
    }
    %dma_wait3A = arith.constant 0 : i32
    %dma_wait3A_57 = arith.constant 0 : i32
    %dma_wait3A_58 = arith.constant 0 : i32
    %dma_wait3A_59 = tpu.memref_slice %arg8[%dma_wait3A, %dma_wait3A_57, %dma_wait3A_58] : memref<2x128x16xf32, #tpu.memory_space<vmem>> -> memref<1x128x16xf32, #tpu.memory_space<vmem>>
    %dma_wait3A_60 = tpu.memref_squeeze %dma_wait3A_59 : memref<1x128x16xf32, #tpu.memory_space<vmem>> -> memref<128x16xf32, #tpu.memory_space<vmem>>
    %dma_wait3A_61 = arith.constant 0 : i32
    %dma_wait3A_62 = tpu.memref_slice %arg6[%select_n3A_8, %dma_wait3A_61] : memref<99x128xi32, #tpu.memory_space<vmem>> -> memref<1x128xi32, #tpu.memory_space<vmem>>
    %dma_wait3A_63 = tpu.memref_squeeze %dma_wait3A_62 : memref<1x128xi32, #tpu.memory_space<vmem>> -> memref<128xi32, #tpu.memory_space<vmem>>
    %dma_wait3A_64 = arith.constant 0 : i32
    %dma_wait3A_65 = arith.constant 0 : i32
    %dma_wait3A_66 = tpu.memref_slice %arg2[%dma_wait3A_64, %dma_wait3A_65] : memref<10112x16xf32, #tpu.memory_space<hbm>> -> memref<10112x16xf32, #tpu.memory_space<hbm>>
    tpu.wait_indirect_dma semaphore(%arg11 : memref<!tpu.dma_semaphore, #tpu.memory_space<semaphore_mem>>) src(%dma_wait3A_66 : memref<10112x16xf32, #tpu.memory_space<hbm>>) dst(%dma_wait3A_60 : memref<128x16xf32, #tpu.memory_space<vmem>>)
    %barrier3A_67 = arith.constant 0 : index
    tpu.barrier barrier_id(%barrier3A_67)
    %mul3A_68 = arith.constant 632 : i32
    %mul3A_69 = arith.muli %arg1, %mul3A_68 : i32
    %mul3A_70 = arith.constant 632 : i32
    %mul3A_71 = arith.muli %arg1, %mul3A_70 : i32
    "tpu.region"() ({
      %run_scoped3A = tpu.sem_alloc : memref<!tpu.dma_semaphore, #tpu.memory_space<semaphore_mem>>
      %dma_start3A_72 = arith.constant 0 : i32
      %dma_start3A_73 = tpu.memref_slice %arg5[%arg0, %mul3A_71, %dma_start3A_72] : memref<2x10112x16xf32, #tpu.memory_space<hbm>> -> memref<1x632x16xf32, #tpu.memory_space<hbm>>
      %dma_start3A_74 = tpu.memref_squeeze %dma_start3A_73 : memref<1x632x16xf32, #tpu.memory_space<hbm>> -> memref<632x16xf32, #tpu.memory_space<hbm>>
      %dma_start3A_75 = arith.constant 0 : i32
      %dma_start3A_76 = tpu.memref_slice %arg10[%mul3A_69, %dma_start3A_75] : memref<10112x16xf32, #tpu.memory_space<vmem_shared>> -> memref<632x16xf32, #tpu.memory_space<vmem_shared>>
      tpu.enqueue_dma source(%dma_start3A_76 : memref<632x16xf32, #tpu.memory_space<vmem_shared>>) target(%dma_start3A_74 : memref<632x16xf32, #tpu.memory_space<hbm>>) target_semaphore(%run_scoped3A : memref<!tpu.dma_semaphore, #tpu.memory_space<semaphore_mem>>)
      %dma_wait3A_77 = arith.constant 0 : i32
      %dma_wait3A_78 = tpu.memref_slice %arg5[%arg0, %mul3A_71, %dma_wait3A_77] : memref<2x10112x16xf32, #tpu.memory_space<hbm>> -> memref<1x632x16xf32, #tpu.memory_space<hbm>>
      %dma_wait3A_79 = tpu.memref_squeeze %dma_wait3A_78 : memref<1x632x16xf32, #tpu.memory_space<hbm>> -> memref<632x16xf32, #tpu.memory_space<hbm>>
      %dma_wait3A_80 = arith.constant 0 : i32
      %dma_wait3A_81 = tpu.memref_slice %arg10[%mul3A_69, %dma_wait3A_80] : memref<10112x16xf32, #tpu.memory_space<vmem_shared>> -> memref<632x16xf32, #tpu.memory_space<vmem_shared>>
      tpu.wait_dma2 semaphore(%run_scoped3A : memref<!tpu.dma_semaphore, #tpu.memory_space<semaphore_mem>>) src(%dma_wait3A_81 : memref<632x16xf32, #tpu.memory_space<vmem_shared>>) dst(%dma_wait3A_79 : memref<632x16xf32, #tpu.memory_space<hbm>>)
      tpu.yield
    }) : () -> ()
    return
  }
}

module attributes {stable_mosaic.version = 14 : i64} {
  func.func @_dense1_body(%arg0: memref<10112x128xf32, #tpu.memory_space<vmem>>, %arg1: memref<128x16xf32, #tpu.memory_space<vmem>>, %arg2: memref<32x10112xf32, #tpu.memory_space<vmem>>, %arg3: memref<10112x16xf32, #tpu.memory_space<vmem>>, %arg4: memref<10112x1xf32, #tpu.memory_space<vmem>>) attributes {dimension_semantics = [], scalar_prefetch = 0 : i64, scratch_operands = 0 : i64, tpu.core_type = #tpu.core_type<tc>} {
    %get3A = arith.constant 0 : index
    %get3A_0 = arith.constant 0 : index
    %get3A_1 = vector.load %arg2[%get3A, %get3A_0] : memref<32x10112xf32, #tpu.memory_space<vmem>>, vector<32x10112xf32>
    %reduce_sum3A = arith.constant dense<0.000000e+00> : vector<10112xf32>
    %reduce_sum3A_2 = vector.multi_reduction <add>, %get3A_1, %reduce_sum3A [0] : vector<32x10112xf32> to vector<10112xf32>
    %add3A = arith.constant 1.000000e+00 : f32
    %add3A_3 = vector.broadcast %add3A : f32 to vector<10112xf32>
    %add3A_4 = arith.addf %reduce_sum3A_2, %add3A_3 : vector<10112xf32>
    %pow3A = arith.constant -5.000000e-01 : f32
    %pow3A_5 = vector.broadcast %pow3A : f32 to vector<10112xf32>
    %pow3A_6 = math.powf %add3A_4, %pow3A_5 : vector<10112xf32>
    %broadcast_in_dim3A = vector.shape_cast %pow3A_6 : vector<10112xf32> to vector<10112x1xf32>
    %get3A_7 = arith.constant 0 : index
    %get3A_8 = arith.constant 0 : index
    %get3A_9 = vector.load %arg0[%get3A_7, %get3A_8] : memref<10112x128xf32, #tpu.memory_space<vmem>>, vector<10112x128xf32>
    %get3A_10 = arith.constant 0 : index
    %get3A_11 = arith.constant 0 : index
    %get3A_12 = vector.load %arg1[%get3A_10, %get3A_11] : memref<128x16xf32, #tpu.memory_space<vmem>>, vector<128x16xf32>
    %dot_general3A = arith.constant dense<0.000000e+00> : vector<10112x16xf32>
    %dot_general3A_13 = tpu.matmul %get3A_9, %get3A_12, %dot_general3A {dimension_numbers = #tpu.dot_dimension_numbers<[1], [0], [0], [1], [0, 0, 1, 1], [], []>, transpose_lhs_hint = false} : vector<10112x128xf32>, vector<128x16xf32>, vector<10112x16xf32> -> vector<10112x16xf32>
    %mul3A = vector.broadcast %broadcast_in_dim3A : vector<10112x1xf32> to vector<10112x16xf32>
    %mul3A_14 = arith.mulf %dot_general3A_13, %mul3A : vector<10112x16xf32>
    %swap3A = arith.constant 0 : index
    %swap3A_15 = arith.constant 0 : index
    %swap3A_16 = vector.load %arg3[%swap3A, %swap3A_15] : memref<10112x16xf32, #tpu.memory_space<vmem>>, vector<10112x16xf32>
    tpu.vector_store %arg3[%swap3A, %swap3A_15], %mul3A_14 {strides = array<i32>} : memref<10112x16xf32, #tpu.memory_space<vmem>>, vector<10112x16xf32>,
    %swap3A_17 = arith.constant 0 : index
    %swap3A_18 = arith.constant 0 : index
    %swap3A_19 = vector.load %arg4[%swap3A_17, %swap3A_18] : memref<10112x1xf32, #tpu.memory_space<vmem>>, vector<10112x1xf32>
    tpu.vector_store %arg4[%swap3A_17, %swap3A_18], %broadcast_in_dim3A {strides = array<i32>} : memref<10112x1xf32, #tpu.memory_space<vmem>>, vector<10112x1xf32>,
    return
  }
}

module attributes {stable_mosaic.version = 14 : i64} {
  func.func @_dense2_body(%arg0: memref<2x10112x16xf32, #tpu.memory_space<vmem>>, %arg1: memref<10112x16xf32, #tpu.memory_space<vmem>>, %arg2: memref<10112x1xf32, #tpu.memory_space<vmem>>, %arg3: memref<1x16xf32, #tpu.memory_space<vmem>>, %arg4: memref<10112x16xf32, #tpu.memory_space<vmem>>) attributes {dimension_semantics = [], scalar_prefetch = 0 : i64, scratch_operands = 0 : i64, tpu.core_type = #tpu.core_type<tc>} {
    %get3A = arith.constant 0 : index
    %get3A_0 = arith.constant 0 : index
    %get3A_1 = vector.load %arg2[%get3A, %get3A_0] : memref<10112x1xf32, #tpu.memory_space<vmem>>, vector<10112x1xf32>
    %get3A_2 = arith.constant 0 : index
    %get3A_3 = arith.constant 0 : index
    %get3A_4 = arith.constant 0 : index
    %get3A_5 = vector.load %arg0[%get3A_2, %get3A_3, %get3A_4] : memref<2x10112x16xf32, #tpu.memory_space<vmem>>, vector<1x10112x16xf32>
    %get3A_6 = vector.shape_cast %get3A_5 : vector<1x10112x16xf32> to vector<10112x16xf32>
    %get3A_7 = arith.constant 1 : index
    %get3A_8 = arith.constant 0 : index
    %get3A_9 = arith.constant 0 : index
    %get3A_10 = vector.load %arg0[%get3A_7, %get3A_8, %get3A_9] : memref<2x10112x16xf32, #tpu.memory_space<vmem>>, vector<1x10112x16xf32>
    %get3A_11 = vector.shape_cast %get3A_10 : vector<1x10112x16xf32> to vector<10112x16xf32>
    %add3A = arith.addf %get3A_6, %get3A_11 : vector<10112x16xf32>
    %get3A_12 = arith.constant 0 : index
    %get3A_13 = arith.constant 0 : index
    %get3A_14 = vector.load %arg1[%get3A_12, %get3A_13] : memref<10112x16xf32, #tpu.memory_space<vmem>>, vector<10112x16xf32>
    %add3A_15 = arith.addf %add3A, %get3A_14 : vector<10112x16xf32>
    %mul3A = vector.broadcast %get3A_1 : vector<10112x1xf32> to vector<10112x16xf32>
    %mul3A_16 = arith.mulf %add3A_15, %mul3A : vector<10112x16xf32>
    %get3A_17 = arith.constant 0 : index
    %get3A_18 = arith.constant 0 : index
    %get3A_19 = vector.load %arg3[%get3A_17, %get3A_18] : memref<1x16xf32, #tpu.memory_space<vmem>>, vector<1x16xf32>
    %add3A_20 = vector.broadcast %get3A_19 : vector<1x16xf32> to vector<10112x16xf32>
    %add3A_21 = arith.addf %mul3A_16, %add3A_20 : vector<10112x16xf32>
    %max3A = arith.constant 0.000000e+00 : f32
    %max3A_22 = vector.broadcast %max3A : f32 to vector<10112x16xf32>
    %max3A_23 = arith.maximumf %add3A_21, %max3A_22 : vector<10112x16xf32>
    %mul3A_24 = vector.broadcast %get3A_1 : vector<10112x1xf32> to vector<10112x16xf32>
    %mul3A_25 = arith.mulf %max3A_23, %mul3A_24 : vector<10112x16xf32>
    %swap3A = arith.constant 0 : index
    %swap3A_26 = arith.constant 0 : index
    %swap3A_27 = vector.load %arg4[%swap3A, %swap3A_26] : memref<10112x16xf32, #tpu.memory_space<vmem>>, vector<10112x16xf32>
    tpu.vector_store %arg4[%swap3A, %swap3A_26], %mul3A_25 {strides = array<i32>} : memref<10112x16xf32, #tpu.memory_space<vmem>>, vector<10112x16xf32>,
    return
  }
}

module attributes {stable_mosaic.version = 14 : i64} {
  func.func @_final_body(%arg0: memref<2x10112x16xf32, #tpu.memory_space<vmem>>, %arg1: memref<10112x16xf32, #tpu.memory_space<vmem>>, %arg2: memref<10112x1xf32, #tpu.memory_space<vmem>>, %arg3: memref<1x32xf32, #tpu.memory_space<vmem>>, %arg4: memref<16x32xf32, #tpu.memory_space<vmem>>, %arg5: memref<32x2xf32, #tpu.memory_space<vmem>>, %arg6: memref<1x2xf32, #tpu.memory_space<vmem>>, %arg7: memref<1x2xf32, #tpu.memory_space<vmem>>) attributes {dimension_semantics = [], scalar_prefetch = 0 : i64, scratch_operands = 0 : i64, tpu.core_type = #tpu.core_type<tc>} {
    %get3A = arith.constant 0 : index
    %get3A_0 = arith.constant 0 : index
    %get3A_1 = arith.constant 0 : index
    %get3A_2 = vector.load %arg0[%get3A, %get3A_0, %get3A_1] : memref<2x10112x16xf32, #tpu.memory_space<vmem>>, vector<1x10112x16xf32>
    %get3A_3 = vector.shape_cast %get3A_2 : vector<1x10112x16xf32> to vector<10112x16xf32>
    %get3A_4 = arith.constant 1 : index
    %get3A_5 = arith.constant 0 : index
    %get3A_6 = arith.constant 0 : index
    %get3A_7 = vector.load %arg0[%get3A_4, %get3A_5, %get3A_6] : memref<2x10112x16xf32, #tpu.memory_space<vmem>>, vector<1x10112x16xf32>
    %get3A_8 = vector.shape_cast %get3A_7 : vector<1x10112x16xf32> to vector<10112x16xf32>
    %add3A = arith.addf %get3A_3, %get3A_8 : vector<10112x16xf32>
    %get3A_9 = arith.constant 0 : index
    %get3A_10 = arith.constant 0 : index
    %get3A_11 = vector.load %arg1[%get3A_9, %get3A_10] : memref<10112x16xf32, #tpu.memory_space<vmem>>, vector<10112x16xf32>
    %add3A_12 = arith.addf %add3A, %get3A_11 : vector<10112x16xf32>
    %get3A_13 = arith.constant 0 : index
    %get3A_14 = arith.constant 0 : index
    %get3A_15 = vector.load %arg2[%get3A_13, %get3A_14] : memref<10112x1xf32, #tpu.memory_space<vmem>>, vector<10112x1xf32>
    %mul3A = vector.broadcast %get3A_15 : vector<10112x1xf32> to vector<10112x16xf32>
    %mul3A_16 = arith.mulf %add3A_12, %mul3A : vector<10112x16xf32>
    %get3A_17 = arith.constant 0 : index
    %get3A_18 = arith.constant 0 : index
    %get3A_19 = vector.load %arg4[%get3A_17, %get3A_18] : memref<16x32xf32, #tpu.memory_space<vmem>>, vector<16x32xf32>
    %dot_general3A = arith.constant dense<0.000000e+00> : vector<10112x32xf32>
    %dot_general3A_20 = tpu.matmul %mul3A_16, %get3A_19, %dot_general3A {dimension_numbers = #tpu.dot_dimension_numbers<[1], [0], [0], [1], [0, 0, 1, 1], [], []>, transpose_lhs_hint = false} : vector<10112x16xf32>, vector<16x32xf32>, vector<10112x32xf32> -> vector<10112x32xf32>
    %get3A_21 = arith.constant 0 : index
    %get3A_22 = arith.constant 0 : index
    %get3A_23 = vector.load %arg3[%get3A_21, %get3A_22] : memref<1x32xf32, #tpu.memory_space<vmem>>, vector<1x32xf32>
    %add3A_24 = vector.broadcast %get3A_23 : vector<1x32xf32> to vector<10112x32xf32>
    %add3A_25 = arith.addf %dot_general3A_20, %add3A_24 : vector<10112x32xf32>
    %max3A = arith.constant 0.000000e+00 : f32
    %max3A_26 = vector.broadcast %max3A : f32 to vector<10112x32xf32>
    %max3A_27 = arith.maximumf %add3A_25, %max3A_26 : vector<10112x32xf32>
    %iota3A = tpu.iota {dimensions = array<i32: 0>} : vector<10112x32xi32>
    %lt3A = arith.constant 10000 : i32
    %lt3A_28 = vector.broadcast %lt3A : i32 to vector<10112x32xi32>
    %lt3A_29 = arith.cmpi slt, %iota3A, %lt3A_28 : vector<10112x32xi32>
    %jit3A = arith.constant 0.000000e+00 : f32
    %broadcast_in_dim3A = vector.broadcast %jit3A : f32 to vector<10112x32xf32>
    %select_n3A = arith.select %lt3A_29, %max3A_27, %broadcast_in_dim3A : vector<10112x32xi1>, vector<10112x32xf32>
    %reduce_sum3A = arith.constant dense<0.000000e+00> : vector<32xf32>
    %reduce_sum3A_30 = vector.multi_reduction <add>, %select_n3A, %reduce_sum3A [0] : vector<10112x32xf32> to vector<32xf32>
    %broadcast_in_dim3A_31 = vector.shape_cast %reduce_sum3A_30 : vector<32xf32> to vector<1x32xf32>
    %get3A_32 = arith.constant 0 : index
    %get3A_33 = arith.constant 0 : index
    %get3A_34 = vector.load %arg5[%get3A_32, %get3A_33] : memref<32x2xf32, #tpu.memory_space<vmem>>, vector<32x2xf32>
    %dot_general3A_35 = arith.constant dense<0.000000e+00> : vector<1x2xf32>
    %dot_general3A_36 = tpu.matmul %broadcast_in_dim3A_31, %get3A_34, %dot_general3A_35 {dimension_numbers = #tpu.dot_dimension_numbers<[1], [0], [0], [1], [0, 0, 1, 1], [], []>, transpose_lhs_hint = false} : vector<1x32xf32>, vector<32x2xf32>, vector<1x2xf32> -> vector<1x2xf32>
    %get3A_37 = arith.constant 0 : index
    %get3A_38 = arith.constant 0 : index
    %get3A_39 = vector.load %arg6[%get3A_37, %get3A_38] : memref<1x2xf32, #tpu.memory_space<vmem>>, vector<1x2xf32>
    %mul3A_40 = arith.constant 1.000000e+04 : f32
    %mul3A_41 = vector.broadcast %mul3A_40 : f32 to vector<1x2xf32>
    %mul3A_42 = arith.mulf %get3A_39, %mul3A_41 : vector<1x2xf32>
    %add3A_43 = arith.addf %dot_general3A_36, %mul3A_42 : vector<1x2xf32>
    %reduce_max3A = arith.constant dense<0xFF800000> : vector<1xf32>
    %reduce_max3A_44 = vector.multi_reduction <maximumf>, %add3A_43, %reduce_max3A [1] : vector<1x2xf32> to vector<1xf32>
    %broadcast_in_dim3A_45 = vector.shape_cast %reduce_max3A_44 : vector<1xf32> to vector<1x1xf32>
    %sub3A = vector.broadcast %broadcast_in_dim3A_45 : vector<1x1xf32> to vector<1x2xf32>
    %sub3A_46 = arith.subf %add3A_43, %sub3A : vector<1x2xf32>
    %exp3A = math.exp %sub3A_46 : vector<1x2xf32>
    %reduce_sum3A_47 = arith.constant dense<0.000000e+00> : vector<1xf32>
    %reduce_sum3A_48 = vector.multi_reduction <add>, %exp3A, %reduce_sum3A_47 [1] : vector<1x2xf32> to vector<1xf32>
    %broadcast_in_dim3A_49 = vector.shape_cast %reduce_sum3A_48 : vector<1xf32> to vector<1x1xf32>
    %log3A = math.log %broadcast_in_dim3A_49 : vector<1x1xf32>
    %add3A_50 = arith.addf %log3A, %broadcast_in_dim3A_45 : vector<1x1xf32>
    %sub3A_51 = vector.broadcast %add3A_50 : vector<1x1xf32> to vector<1x2xf32>
    %sub3A_52 = arith.subf %add3A_43, %sub3A_51 : vector<1x2xf32>
    %swap3A = arith.constant 0 : index
    %swap3A_53 = arith.constant 0 : index
    %swap3A_54 = vector.load %arg7[%swap3A, %swap3A_53] : memref<1x2xf32, #tpu.memory_space<vmem>>, vector<1x2xf32>
    tpu.vector_store %arg7[%swap3A, %swap3A_53], %sub3A_52 {strides = array<i32>} : memref<1x2xf32, #tpu.memory_space<vmem>>, vector<1x2xf32>,
    return
  }
}

</mosaic_0001>

<sc_bundles>
// kernel: kernel.11.cloned.1.call-start
scs
__scs_entry_jumppad:
0x0: {  	(pc) =	sbr.rel $0x88, $3  }
0x1: {  	(tag) =	ssettag $0x0;
	lr =	simm.s32 $0x1  }
0x2: {  	[smem:$0x3F99] =	sst lr;
	_ =	strace $0xD0000000  }
0x3: {  	_ = 	snop  }
0x4: {  	_ = 	snop  }
0x5: {  	_ = 	snop  }
0x6: {  	_ = 	snop  }
0x7: {  	_ = 	snop  }
__scs_overlays_trampoline_lowered:
0x8: {  	[smem:$0x3FA8] =	sst s0  }
0x9: {  	[smem:$0x3FA9] =	sst s1  }
0xa: {  	[smem:$0x3FAA] =	sst s2  }
0xb: {  	[smem:$0x3FAB] =	sst s3  }
0xc: {  	[smem:$0x3FAC] =	sst s4  }
0xd: {  	[smem:$0x3FAD] =	sst s5  }
0xe: {  	[smem:$0x3FAE] =	sst s6  }
0xf: {  	[smem:$0x3FAF] =	sst s7  }
0x10: {  	[smem:$0x3FB0] =	sst s8  }
0x11: {  	[smem:$0x3FB1] =	sst s9;
	s0 =	simm.s32 @!p0 $0x0  }
0x12: {  	s1 =	sld [smem:$0x3F97];
	s0 =	simm.s32 @p0 $0x1  }
0x13: {  	[smem:$0x3FB2] =	sst s0;
	s0 =	simm.s32 @!p1 $0x0  }
0x14: {  	s2 =	sld [smem:$0x3F96];
	s0 =	simm.s32 @p1 $0x1  }
0x15: {  	[smem:$0x3FB3] =	sst s0;
	s0 =	simm.s32 @!p2 $0x0  }
0x16: {  	s3 =	sld [smem:$0x3FDB];
	s0 =	simm.s32 @p2 $0x1  }
0x17: {  	s4 =	simm.s32 $0x1BF5;
	[smem:$0x3FB5] =	sst s0  }
0x18: {  	s0 =	sld [smem:$0x3F98];
	_ =	swait.ge [sflag:s4], $0x0  }
0x19: {  	s7 =	sld [smem:$0x3F99]  }
0x1a: {  	s8 =	sadd.s32 $0xFFFFE003, lr  }
0x1b: {  	s9 =	sadd.s32 $0xFFFFFEF7, lr;
	s5 =	simm.s32 $0xFFFFFFFF;
	p2 =	slt.u32 s8, $0xFFFFF086  }
0x1c: {  	p1 =	slt.u32 s9, $0xF7A;
	s5 =	simm.s32 @!p2 $0x0  }
0x1d: {  	s5 =	simm.s32 @p1 $0x1;
	p0 =	seq.s32 s7, s2  }
0x1e: {  	s7 =	smul.u32 @!p0 $0xF7A, s2;
	p2 =	seq.s32 @!p0 s5, $0x0  }
0x1f: {  	s9 =	smul.u32 $0xF7A, s1;
	s8 =	simm.s32 @!p0 $0x1BF5;
	p2 =	por !p2, p0  }
0x20: {  	[sflag:s8] =	ssyncset.s32 @!p0 $0xFFFFF086;
	s6 =	sadd.s32 @!p0 s3, s7;
	s7 =	simm.s32 @!p0 $0x108  }
0x21: {  	s3 =	sadd.s32 s3, s9;
	s6 =	sadd.s32 @!p0 $0x88, s6;
	s7 =	simm.s32 @p2 $0x1082  }
0x22: {  	[simem:s7], [sflag:s8] =	dma.local @!p0 [hbm:s6], $0xF7A  }
0x23: {  	s9 =	sor.u32 $0xD0000000, s2;
	s6 =	simm.s32 $0x108;
	_ =	swait.ge @!p0 [sflag:s8], $0x0  }
0x24: {  	s3 =	sadd.s32 $0x88, s3;
	s6 =	simm.s32 @!p1 $0x1082;
	[sflag:s4] =	ssyncset.s32 $0xFFFFF086  }
0x25: {  	[simem:s6], [sflag:s4] =	dma.local [hbm:s3], $0xF7A  }
0x26: {  	[smem:$0x3F99] =	sst s1;
	(tag) =	ssettag s2;
	_ =	strace s9  }
0x27: {  	s1 =	sld [smem:$0x3FA9]  }
0x28: {  	s2 =	sld [smem:$0x3FAA]  }
0x29: {  	s4 =	sld [smem:$0x3FAC]  }
0x2a: {  	p0 =	seq.s32 s5, $0x0;
	s5 =	sld [smem:$0x3FAD]  }
0x2b: {  	s6 =	sld [smem:$0x3FAE]  }
0x2c: {  	s7 =	sld [smem:$0x3FAF]  }
0x2d: {  	s3 =	simm.s32 $0x108;
	s8 =	sld [smem:$0x3FB0]  }
0x2e: {  	s3 =	simm.s32 @!p0 $0x1082;
	s9 =	sld [smem:$0x3FB1]  }
0x2f: {  	lr =	sadd.s32 s0, s3;
	s0 =	sld [smem:$0x3FA8]  }
0x30: {  	s3 =	sld [smem:$0x3FAB]  }
0x31: {  	[smem:$0x3FB4] =	sst s10  }
0x32: {  	s10 =	sld [smem:$0x3FB2];
	_ =	sdelay $0x3  }
0x33: {  	p0 =	seq.s32 s10, $0x1;
	s10 =	sld [smem:$0x3FB4];
	_ =	sdelay $0x3  }
0x34: {  	[smem:$0x3FB4] =	sst s10  }
0x35: {  	s10 =	sld [smem:$0x3FB3];
	_ =	sdelay $0x3  }
0x36: {  	p1 =	seq.s32 s10, $0x1;
	s10 =	sld [smem:$0x3FB4];
	_ =	sdelay $0x3  }
0x37: {  	[smem:$0x3FB4] =	sst s10  }
0x38: {  	s10 =	sld [smem:$0x3FB5]  }
0x39: {  	_ = 	snop;
	(pc) =	sbr.ind lr, $3  }
0x3a: {  	_ = 	snop  }
0x3b: {  	_ = 	snop  }
0x3c: {  	p2 =	seq.s32 s10, $0x1;
	s10 =	sld [smem:$0x3FB4]  }
0x3d: {  	_ =	shalt  }
0x3e: {  	_ =	shalt  }
0x3f: {  	_ =	shalt  }
0x40: {  	_ =	shalt  }
0x41: {  	_ =	shalt  }
0x42: {  	_ =	shalt  }
0x43: {  	_ =	shalt  }
0x44: {  	_ =	shalt  }
0x45: {  	_ =	shalt  }
0x46: {  	_ =	shalt  }
0x47: {  	_ =	shalt  }
0x48: {  	_ =	shalt  }
0x49: {  	_ =	shalt  }
0x4a: {  	_ =	shalt  }
0x4b: {  	_ =	shalt  }
0x4c: {  	_ =	shalt  }
0x4d: {  	_ =	shalt  }
0x4e: {  	_ =	shalt  }
0x4f: {  	_ =	shalt  }
0x50: {  	_ =	shalt  }
0x51: {  	_ =	shalt  }
0x52: {  	_ =	shalt  }
0x53: {  	_ =	shalt  }
0x54: {  	_ =	shalt  }
0x55: {  	_ =	shalt  }
0x56: {  	_ =	shalt  }
0x57: {  	_ =	shalt  }
0x58: {  	_ =	shalt  }
0x59: {  	_ =	shalt  }
0x5a: {  	_ =	shalt  }
0x5b: {  	_ =	shalt  }
0x5c: {  	_ =	shalt  }
0x5d: {  	_ =	shalt  }
0x5e: {  	_ =	shalt  }
0x5f: {  	_ =	shalt  }
0x60: {  	_ =	shalt  }
0x61: {  	_ =	shalt  }
0x62: {  	_ =	shalt  }
0x63: {  	_ =	shalt  }
0x64: {  	_ =	shalt  }
0x65: {  	_ =	shalt  }
0x66: {  	_ =	shalt  }
0x67: {  	_ =	shalt  }
0x68: {  	_ =	shalt  }
0x69: {  	_ =	shalt  }
0x6a: {  	_ =	shalt  }
0x6b: {  	_ =	shalt  }
0x6c: {  	_ =	shalt  }
0x6d: {  	_ =	shalt  }
0x6e: {  	_ =	shalt  }
0x6f: {  	_ =	shalt  }
0x70: {  	_ =	shalt  }
0x71: {  	_ =	shalt  }
0x72: {  	_ =	shalt  }
0x73: {  	_ =	shalt  }
0x74: {  	_ =	shalt  }
0x75: {  	_ =	shalt  }
0x76: {  	_ =	shalt  }
0x77: {  	_ =	shalt  }
0x78: {  	_ =	shalt  }
0x79: {  	_ =	shalt  }
0x7a: {  	_ =	shalt  }
0x7b: {  	_ =	shalt  }
0x7c: {  	_ =	shalt  }
0x7d: {  	_ =	shalt  }
0x7e: {  	_ =	shalt  }
0x7f: {  	_ =	shalt  }
0x80: {  	_ =	shalt  }
0x81: {  	_ =	shalt  }
0x82: {  	_ =	shalt  }
0x83: {  	_ =	shalt  }
0x84: {  	_ =	shalt  }
0x85: {  	_ =	shalt  }
0x86: {  	_ =	shalt  }
0x87: {  	_ =	shalt  }
.Lfunc_end0:
.L_simem_size_0:
called_computation.1_lowered:
.L_overlay_start_0:
0x88: {  	s2 =	sld [smem:$0x3FD9]  }
0x89: {  	s3 =	sld [smem:$0x3FFE];
	_ =	sdelay $0x1  }
0x8a: {  	s1 =	srdreg.scid  }
0x8b: {  	s0 =	sand.u32 $0x1, s1  }
0x8c: {  	s16 =	sshll.u32 s0, $0xA;
	s2 =	sadd.s32 s3, s2  }
0x8d: {  	s2 =	sadd.s32 s2, s16  }
0x8e: {  	[smem:$0x3FC0] =	sst s2  }
0x8f: {  	_ = 	snop  }
0x90: {  	(tm) =	ssettm $0x1  }
0x91: {  	s17 =	sld [smem:$0x3FFB];
	_ =	sdelay $0x3  }
0x92: {  	_ =	strace s17  }
0x93: {  	s2 =	sld [smem:$0x3FFC];
	_ =	sdelay $0x3  }
0x94: {  	_ =	strace s2  }
0x95: {  	s2 =	sld [smem:$0x3FFD];
	_ =	sdelay $0x3  }
0x96: {  	_ =	strace s2  }
0x97: {  	_ =	strace $0x8FFFFFFF  }
0x98: {  	s18 =	sld [smem:$0x3FDB];
	_ =	sdelay $0x1  }
0x99: {  	s19 =	simm.s32 $_scs_section_size  }
0x9a: {  	s4 =	simm.s32 $_size__tile_overlayer_lowered;
	s5 =	simm.s32 $_tile_overlayer_lowered  }
0x9b: {  	s22 =	simm.s32 $0x1BFF;
	s21 =	sshll.u32 s5, $0x1;
	s2 =	sadd.s32 s19, s18  }
0x9c: {  	s6 =	simm.s32 $0x0;
	s20 =	sshll.u32 s4, $0x1;
	s4 =	sadd.s32 s21, s2  }
0x9d: {  	[timem:s6], [sflag:s22] =	dma.local [hbm:s4], s20  }
0x9e: {  	_ =	swait.ge [sflag:s22], s20  }
0x9f: {  	s3 =	ssub.s32 $0x0, s20;
	[sflag:s22] =	ssyncset.done $0x0  }
0xa0: {  	[sflag:s22] =	ssyncadd.s32 s3;
	_ =	sdelay $0x1  }
0xa1: {  	s23 =	simm.s32 $0x1B8B  }
0xa2: {  	_ =	swait.ge [sflag:s23], $0x1  }
0xa3: {  	[sflag:s23] =	ssyncset.done $0x0  }
0xa4: {  	s25 =	simm.s32 $0x1B8E;
	s24 =	sld [smem:$0x3FFE];
	[sflag:s23] =	ssyncadd.s32 $0xFFFFFFFF  }
0xa5: {  	s26 =	simm.s32 $execute0_lowered;
	[smem:$0x3FD2] =	sst s25  }
0xa6: {  	s4 =	sshll.u32 s26, $0x1;
	_ =	strace $0x80000049;
	[dreg:$0x1] =	wrdreg $0xFFFFFFFF  }
0xa7: {  	s28 =	simm.s32 $_size_execute0_lowered;
	s2 =	sadd.s32 s2, s4;
	[dreg:$0x0] =	wrdreg $0x0  }
0xa8: {  	s4 =	sshll.u32 s28, $0x1;
	[dreg:$0x2] =	wrdreg s2  }
0xa9: {  	[dreg:$0x3] =	wrdreg s4  }
0xaa: {  	[dreg:$0x4] =	wrdreg $0xC0  }
0xab: {  	_ =	task [dreg:s6], $0x5FFFF  }
0xac: {  	[dreg:$0x1] =	wrdreg $0xFFFFFFFF  }
0xad: {  	[dreg:$0x0] =	wrdreg $0x60  }
0xae: {  	[dreg:$0x2] =	wrdreg s24  }
0xaf: {  	[dreg:$0x3] =	wrdreg $0x9A800  }
0xb0: {  	[dreg:$0x4] =	wrdreg $0x9  }
0xb1: {  	_ =	task.clear_ibuf [dreg:s6], $0x5FFFF;
	_ =	strace $0x90000049  }
0xb2: {  	s29 =	simm.s32 $0x9;
	_ =	strace $0x8000004B  }
0xb3: {  	_ =	swait.ge [sflag:s29], $0x1  }
0xb4: {  	[sflag:s29] =	ssyncadd.s32 $0xFFFFFFFF  }
0xb5: {  	_ =	strace $0x9000004B  }
0xb6: {  	_ =	sfence  }
0xb7: {  	s30 =	sld [smem:$0x0];
	_ =	sdelay $0x2  }
0xb8: {  	s31 =	sshll.u32 s1, $0xD;
	s1 =	sshrl.u32 s1, $0x2  }
0xb9: {  	s3 =	sand.u32 $0x4000, s31;
	s1 =	sadd.s32 s1, s30  }
0xba: {  	s0 =	sor.u32 s3, s0;
	s1 =	sshll.u32 s1, $0x11  }
0xbb: {  	s0 =	sor.u32 s1, s0  }
0xbc: {  	s0 =	sadd.s32 $0x8F2B, s0  }
0xbd: {  	[sflag:s0] =	ssyncadd.remote.s32 $0x1  }
0xbe: {  	_ =	sfence.sel $0xFFFF  }
0xbf: {  	[dreg:$0x0] =	wrdreg $0xFFFFFFFF;
	(pc) =	sbr.abs _section_cstart, $3  }
0xc0: {  	[dreg:$0x1] =	wrdreg $0xFFFFFFFF  }
0xc1: {  	_ =	task.clear_ibuf [dreg:s6], $0x2FFFF;
	_ =	strace $0x9FFFFFFF  }
0xc2: {  	(tm) =	ssettm $0x7FFFFFFF  }
0xc3: {  	_ =	shalt  }
tec
execute0_lowered:
.L_overlay_start_1:
0x0: {  	(tag) =	ssettag $0x1  }
0x1: {  	s5 =	rddreg [dreg:$0x0]  }
0x2: {  	s2 =	rddreg [dreg:$0x1];
	s1 =	stileid.u32  }
0x3: {  	s0 =	rddreg [dreg:$0x2];
	s4 =	srdreg.scid;
	s3 =	simm.s32 $0x0  }
0x4: {  	s13 =	simm.s32 $0x80;
	s14 =	simm.s32 $0x6300;
	s6 =	smul.u32 $0x62, s1  }
0x5: {  	s15 =	simm.s32 $0x1;
	s16 =	simm.s32 $0x6B00;
	s7 =	smul.u32 $0x3E, s1  }
0x6: {  	s19 =	simm.s32 $0x0;
	s8 =	sand.u32 $0x1, s4;
	s9 =	smul.u32 $0x2780, s1  }
0x7: {  	[smem:$0x7FF] =	sst s3;
	s4 =	sadd.s32 $0x16E00, s5;
	s17 =	sshll.u32 s1, $0x6  }
0x8: {  	s10 =	smul.u32 $0x27800, s8;
	_ =	strace $0x8000004A;
	p0 =	seq.s32 s8, $0x0  }
0x9: {  	s8 =	ssub.s32 $0x2, s8;
	s17 =	sor.u32 $0x1C02, s17;
	s7 =	sadd.s32 $0x620, s7  }
0xa: {  	s31 =	sshrl.u32 s8, $0x1;
	s7 =	smov.u32 @p0 s6;
	s29 =	sadd.s32 s9, s10  }
0xb: {  	s12 =	ssub.s32 s8, s31;
	s7 =	sshll.u32 s7, $0x4;
	s6 =	sshrl.u32 s29, $0x3  }
0xc: {  	s10 =	smax.u32 s12, $0x1;
	s12 =	simm.s32 $0x2;
	s30 =	sadd.s32 s7, s5  }
0xd: {  	s11 =	sadd.s32 s6, s5;
	s5 =	sadd.s32 s9, s2;
	s6 =	simm.s32 $0x31  }
0xe: {  	s7 =	sadd.s32 $0x20C00, s30;
	s8 =	sadd.s32 $0xC600, s30;
	s6 =	simm.s32 @!p0 $0x1F  }
0xf: {  	v0 =	vimm.f32 $0.0e+00;
	s9 =	sadd.s32 $0x1E00, s11;
	s11 =	simm.s32 $0x7300;
	s18 =	sshrl.u32 s5, $0x3  }
.LBB2_1:
0x10: {  	s20 =	simm.s32 $0x40;
	s21 =	simm.s32 $0x0  }
.LBB2_2:
0x11: {  	p0 =	sne.s32 s20, $0x9DC0;
	[tilespmem:s21+$0x7300] =	vst v0;
	s21 =	smov.u32 s20;
	s20 =	sadd.s32 $0x40, s20  }
.Ltmp0:
0x12: {  	(pc) =	sbr.rel @p0 .LBB2_2-.Ltmp0, $2  }
0x13: {  	_ =	sdelay $0x2  }
0x14: {  	s21 =	sshra.s32 s21, $0x2  }
0x15: {  	[tilespmem:s21+$0x7300] =	vst v0  }
0x16: {  	[spmem:s5] =	stream.linear.scatter [tilespmem:s11], [sflag:$0x2], $0x2780, $0x38;
	[tilespmem:$0xC200] =	vst v63  }
0x17: {  	_ =	swait.ge [sflag:s12], $0x2780  }
0x18: {  	[sflag:s12] =	ssyncset.done $0x0  }
0x19: {  	[sflag:s12] =	ssyncadd.s32 $0xFFFFD880  }
0x1a: {  	[tilespmem:s3], [sflag:$0x2] =	stream.linear.gather [hbm4b:s7+s3], $0x3180, $0x38;
	[tilespmem:$0xC200] =	vst v63  }
0x1b: {  	_ =	swait.ge [sflag:s12], $0x3180  }
0x1c: {  	[sflag:s12] =	ssyncset.done $0x0  }
0x1d: {  	s20 =	simm.s32 $0x3180;
	[sflag:s12] =	ssyncadd.s32 $0xFFFFCE80  }
0x1e: {  	[tilespmem:s20], [sflag:$0x2] =	stream.linear.gather [hbm4b:s8+s3], $0x3180, $0x38;
	[tilespmem:$0xC200] =	vst v63  }
0x1f: {  	_ =	swait.ge [sflag:s12], $0x3180  }
0x20: {  	[sflag:s12] =	ssyncset.done $0x0  }
0x21: {  	[sflag:s12] =	ssyncadd.s32 $0xFFFFCE80  }
0x22: {  	[bflag:$0x0] =	sbarrier.arrive $0xFFFF  }
0x23: {  	[tilespmem:s14], [sflag:$0x1] =	stream.indirect.gather [hbm4b:s4+s13], $0x10, s3, s13, $0xb8;
	[tilespmem:$0xC200] =	vst v63  }
0x24: {  	_ =	swait.ge [sflag:s15], $0x800  }
0x25: {  	[sflag:s15] =	ssyncset.done $0x0  }
0x26: {  	s31 =	simm.s32 $0x80;
	[sflag:s15] =	ssyncadd.s32 $0xFFFFF800  }
0x27: {  	[tilespmem:s16], [sflag:$0x1] =	stream.indirect.gather [hbm4b:s4+s13], $0x10, s31, s13, $0xb8;
	[tilespmem:$0xC200] =	vst v63  }
0x28: {  	_ = 	snop  }
0x29: {  	[spmem:s2] =	stream.indirect.scatter.add.f32 [tilespmem:s14], [sflag:$0x2], $0x10, s20, s13, $0xb8;
	[tilespmem:$0xC200] =	vst v63  }
0x2a: {  	_ =	swait.ge [sflag:s12], $0x800  }
0x2b: {  	[sflag:s12] =	ssyncset.done $0x0  }
0x2c: {  	[sflag:s12] =	ssyncadd.s32 $0xFFFFF800  }
0x2d: {  	_ =	swait.ge [sflag:s15], $0x800  }
0x2e: {  	[sflag:s15] =	ssyncset.done $0x0  }
0x2f: {  	s21 =	simm.s32 $0x100;
	p0 =	sne.s32 s6, $0x1;
	[sflag:s15] =	ssyncadd.s32 $0xFFFFF800  }
0x30: {  	[tilespmem:s14], [sflag:$0x1] =	stream.indirect.gather [hbm4b:s4+s13], $0x10, s21, s13, $0xb8;
	[tilespmem:$0xC200] =	vst v63  }
.Ltmp1:
0x31: {  	_ = 	snop;
	(pc) =	sbr.rel @!p0 .LBB2_5-.Ltmp1, $4  }
0x32: {  	s22 =	simm.s32 $0x3200  }
0x33: {  	[spmem:s2] =	stream.indirect.scatter.add.f32 [tilespmem:s16], [sflag:$0x2], $0x10, s22, s13, $0xb8;
	[tilespmem:$0xC200] =	vst v63  }
0x34: {  	_ =	swait.ge [sflag:s12], $0x800  }
0x35: {  	s22 =	sadd.s32 $0xFFFFFFFF, s6;
	[sflag:s12] =	ssyncset.done $0x0  }
.LBB2_4:
0x36: {  	[sflag:s12] =	ssyncadd.s32 $0xFFFFF800;
	s21 =	sadd.s32 $0x100, s21;
	s20 =	sadd.s32 $0x100, s20  }
0x37: {  	p0 =	sne.s32 s22, $0x1;
	s22 =	sadd.s32 $0xFFFFFFFF, s22  }
0x38: {  	_ =	swait.ge [sflag:s15], $0x800  }
0x39: {  	[sflag:s15] =	ssyncset.done $0x0  }
0x3a: {  	s23 =	sadd.s32 $0xFFFFFF80, s21;
	[sflag:s15] =	ssyncadd.s32 $0xFFFFF800  }
0x3b: {  	[tilespmem:s16], [sflag:$0x1] =	stream.indirect.gather [hbm4b:s4+s13], $0x10, s23, s13, $0xb8;
	[tilespmem:$0xC200] =	vst v63  }
0x3c: {  	_ = 	snop  }
0x3d: {  	[spmem:s2] =	stream.indirect.scatter.add.f32 [tilespmem:s14], [sflag:$0x2], $0x10, s20, s13, $0xb8;
	[tilespmem:$0xC200] =	vst v63  }
0x3e: {  	_ =	swait.ge [sflag:s12], $0x800  }
0x3f: {  	[sflag:s12] =	ssyncset.done $0x0  }
0x40: {  	[sflag:s12] =	ssyncadd.s32 $0xFFFFF800  }
0x41: {  	_ =	swait.ge [sflag:s15], $0x800  }
0x42: {  	[sflag:s15] =	ssyncset.done $0x0  }
0x43: {  	[sflag:s15] =	ssyncadd.s32 $0xFFFFF800  }
0x44: {  	[tilespmem:s14], [sflag:$0x1] =	stream.indirect.gather [hbm4b:s4+s13], $0x10, s21, s13, $0xb8;
	[tilespmem:$0xC200] =	vst v63  }
.Ltmp2:
0x45: {  	_ = 	snop;
	(pc) =	sbr.rel @p0 .LBB2_4-.Ltmp2, $4  }
0x46: {  	s23 =	sadd.s32 $0x80, s20  }
0x47: {  	[spmem:s2] =	stream.indirect.scatter.add.f32 [tilespmem:s16], [sflag:$0x2], $0x10, s23, s13, $0xb8;
	[tilespmem:$0xC200] =	vst v63  }
0x48: {  	_ =	swait.ge [sflag:s12], $0x800  }
0x49: {  	[sflag:s12] =	ssyncset.done $0x0  }
.LBB2_5:
0x4a: {  	[sflag:s12] =	ssyncadd.s32 $0xFFFFF800  }
0x4b: {  	_ =	swait.ge [sflag:s15], $0x800  }
0x4c: {  	s19 =	sadd.s32 $0x1, s19;
	[sflag:s15] =	ssyncset.done $0x0  }
0x4d: {  	p0 =	sne.s32 s19, s10;
	[sflag:s15] =	ssyncadd.s32 $0xFFFFF800  }
.Ltmp3:
0x4e: {  	[bflag:$0x0] =	sbarrier.arrive $0xFFFF;
	(pc) =	sbr.rel @p0 .LBB2_1-.Ltmp3, $4  }
0x4f: {  	[hbm:s9], [sflag:s17] =	dma.local [spmem:s18], $0x4F0  }
0x50: {  	_ =	swait.ge [sflag:s12], $0x4F0  }
0x51: {  	[sflag:s12] =	ssyncset.done $0x0  }
0x52: {  	[sflag:s12] =	ssyncadd.s32 $0xFFFFFB10  }
0x53: {  	_ =	sfence.sel $0x180000  }
0x54: {  	[bflag:$0x0] =	sbarrier.arrive $0xFFFF  }
0x55: {  	p0 =	sne.s32 s1, $0x0;
	_ =	strace $0x9000004A  }
0x56: {  	s0 =	sadd.s32 @!p0 $0x100000, s0;
	[bflag:$0x2] =	sbarrier.arrive $0xFFFF  }
0x57: {  	[sflag:s0] =	ssyncadd.tile.s32 @!p0 $0x1;
	_ =	shalt  }
.Lfunc_end2:
_tile_overlayer_lowered:
.L_overlay_start_2:
0x58: {  	(tag) =	ssettag $0x2  }
0x59: {  	s0 =	rddreg [dreg:$0x0];
	s2 =	stileid.u32  }
0x5a: {  	s1 =	rddreg [dreg:$0x1];
	p0 =	sne.s32 s2, $0x0  }
0x5b: {  	s3 =	rddreg [dreg:$0x2];
	[bflag:$0x3] =	sbarrier.arrive $0xFFFF;
	s2 =	simm.s32 @!p0 $0x1C02  }
0x5c: {  	[timem:s3], [sflag:s2] =	dma.local @!p0 [hbm:s0], s1  }
0x5d: {  	s0 =	simm.s32 @!p0 $0x2  }
0x5e: {  	_ =	swait.ge @!p0 [sflag:s0], s1  }
0x5f: {  	s1 =	ssub.s32 @!p0 $0x0, s1;
	[sflag:s0] =	ssyncset.done @!p0 $0x0  }
0x60: {  	[sflag:s0] =	ssyncadd.s32 @!p0 s1  }
0x61: {  	[bflag:$0x3] =	sbarrier.arrive $0xFFFF  }
0x62: {  	_ =	shalt  }

// kernel: kernel.14.cloned.1.call-start
scs
__scs_entry_jumppad:
0x0: {  	(pc) =	sbr.rel $0x88, $3  }
0x1: {  	(tag) =	ssettag $0x0;
	lr =	simm.s32 $0x1  }
0x2: {  	[smem:$0x3F99] =	sst lr;
	_ =	strace $0xD0000000  }
0x3: {  	_ = 	snop  }
0x4: {  	_ = 	snop  }
0x5: {  	_ = 	snop  }
0x6: {  	_ = 	snop  }
0x7: {  	_ = 	snop  }
__scs_overlays_trampoline_lowered:
0x8: {  	[smem:$0x3FA8] =	sst s0  }
0x9: {  	[smem:$0x3FA9] =	sst s1  }
0xa: {  	[smem:$0x3FAA] =	sst s2  }
0xb: {  	[smem:$0x3FAB] =	sst s3  }
0xc: {  	[smem:$0x3FAC] =	sst s4  }
0xd: {  	[smem:$0x3FAD] =	sst s5  }
0xe: {  	[smem:$0x3FAE] =	sst s6  }
0xf: {  	[smem:$0x3FAF] =	sst s7  }
0x10: {  	[smem:$0x3FB0] =	sst s8  }
0x11: {  	[smem:$0x3FB1] =	sst s9;
	s0 =	simm.s32 @!p0 $0x0  }
0x12: {  	s1 =	sld [smem:$0x3F97];
	s0 =	simm.s32 @p0 $0x1  }
0x13: {  	[smem:$0x3FB2] =	sst s0;
	s0 =	simm.s32 @!p1 $0x0  }
0x14: {  	s2 =	sld [smem:$0x3F96];
	s0 =	simm.s32 @p1 $0x1  }
0x15: {  	[smem:$0x3FB3] =	sst s0;
	s0 =	simm.s32 @!p2 $0x0  }
0x16: {  	s3 =	sld [smem:$0x3FDB];
	s0 =	simm.s32 @p2 $0x1  }
0x17: {  	s4 =	simm.s32 $0x1BF5;
	[smem:$0x3FB5] =	sst s0  }
0x18: {  	s0 =	sld [smem:$0x3F98];
	_ =	swait.ge [sflag:s4], $0x0  }
0x19: {  	s7 =	sld [smem:$0x3F99]  }
0x1a: {  	s8 =	sadd.s32 $0xFFFFE003, lr  }
0x1b: {  	s9 =	sadd.s32 $0xFFFFFEF7, lr;
	s5 =	simm.s32 $0xFFFFFFFF;
	p2 =	slt.u32 s8, $0xFFFFF086  }
0x1c: {  	p1 =	slt.u32 s9, $0xF7A;
	s5 =	simm.s32 @!p2 $0x0  }
0x1d: {  	s5 =	simm.s32 @p1 $0x1;
	p0 =	seq.s32 s7, s2  }
0x1e: {  	s7 =	smul.u32 @!p0 $0xF7A, s2;
	p2 =	seq.s32 @!p0 s5, $0x0  }
0x1f: {  	s9 =	smul.u32 $0xF7A, s1;
	s8 =	simm.s32 @!p0 $0x1BF5;
	p2 =	por !p2, p0  }
0x20: {  	[sflag:s8] =	ssyncset.s32 @!p0 $0xFFFFF086;
	s6 =	sadd.s32 @!p0 s3, s7;
	s7 =	simm.s32 @!p0 $0x108  }
0x21: {  	s3 =	sadd.s32 s3, s9;
	s6 =	sadd.s32 @!p0 $0x88, s6;
	s7 =	simm.s32 @p2 $0x1082  }
0x22: {  	[simem:s7], [sflag:s8] =	dma.local @!p0 [hbm:s6], $0xF7A  }
0x23: {  	s9 =	sor.u32 $0xD0000000, s2;
	s6 =	simm.s32 $0x108;
	_ =	swait.ge @!p0 [sflag:s8], $0x0  }
0x24: {  	s3 =	sadd.s32 $0x88, s3;
	s6 =	simm.s32 @!p1 $0x1082;
	[sflag:s4] =	ssyncset.s32 $0xFFFFF086  }
0x25: {  	[simem:s6], [sflag:s4] =	dma.local [hbm:s3], $0xF7A  }
0x26: {  	[smem:$0x3F99] =	sst s1;
	(tag) =	ssettag s2;
	_ =	strace s9  }
0x27: {  	s1 =	sld [smem:$0x3FA9]  }
0x28: {  	s2 =	sld [smem:$0x3FAA]  }
0x29: {  	s4 =	sld [smem:$0x3FAC]  }
0x2a: {  	p0 =	seq.s32 s5, $0x0;
	s5 =	sld [smem:$0x3FAD]  }
0x2b: {  	s6 =	sld [smem:$0x3FAE]  }
0x2c: {  	s7 =	sld [smem:$0x3FAF]  }
0x2d: {  	s3 =	simm.s32 $0x108;
	s8 =	sld [smem:$0x3FB0]  }
0x2e: {  	s3 =	simm.s32 @!p0 $0x1082;
	s9 =	sld [smem:$0x3FB1]  }
0x2f: {  	lr =	sadd.s32 s0, s3;
	s0 =	sld [smem:$0x3FA8]  }
0x30: {  	s3 =	sld [smem:$0x3FAB]  }
0x31: {  	[smem:$0x3FB4] =	sst s10  }
0x32: {  	s10 =	sld [smem:$0x3FB2];
	_ =	sdelay $0x3  }
0x33: {  	p0 =	seq.s32 s10, $0x1;
	s10 =	sld [smem:$0x3FB4];
	_ =	sdelay $0x3  }
0x34: {  	[smem:$0x3FB4] =	sst s10  }
0x35: {  	s10 =	sld [smem:$0x3FB3];
	_ =	sdelay $0x3  }
0x36: {  	p1 =	seq.s32 s10, $0x1;
	s10 =	sld [smem:$0x3FB4];
	_ =	sdelay $0x3  }
0x37: {  	[smem:$0x3FB4] =	sst s10  }
0x38: {  	s10 =	sld [smem:$0x3FB5]  }
0x39: {  	_ = 	snop;
	(pc) =	sbr.ind lr, $3  }
0x3a: {  	_ = 	snop  }
0x3b: {  	_ = 	snop  }
0x3c: {  	p2 =	seq.s32 s10, $0x1;
	s10 =	sld [smem:$0x3FB4]  }
0x3d: {  	_ =	shalt  }
0x3e: {  	_ =	shalt  }
0x3f: {  	_ =	shalt  }
0x40: {  	_ =	shalt  }
0x41: {  	_ =	shalt  }
0x42: {  	_ =	shalt  }
0x43: {  	_ =	shalt  }
0x44: {  	_ =	shalt  }
0x45: {  	_ =	shalt  }
0x46: {  	_ =	shalt  }
0x47: {  	_ =	shalt  }
0x48: {  	_ =	shalt  }
0x49: {  	_ =	shalt  }
0x4a: {  	_ =	shalt  }
0x4b: {  	_ =	shalt  }
0x4c: {  	_ =	shalt  }
0x4d: {  	_ =	shalt  }
0x4e: {  	_ =	shalt  }
0x4f: {  	_ =	shalt  }
0x50: {  	_ =	shalt  }
0x51: {  	_ =	shalt  }
0x52: {  	_ =	shalt  }
0x53: {  	_ =	shalt  }
0x54: {  	_ =	shalt  }
0x55: {  	_ =	shalt  }
0x56: {  	_ =	shalt  }
0x57: {  	_ =	shalt  }
0x58: {  	_ =	shalt  }
0x59: {  	_ =	shalt  }
0x5a: {  	_ =	shalt  }
0x5b: {  	_ =	shalt  }
0x5c: {  	_ =	shalt  }
0x5d: {  	_ =	shalt  }
0x5e: {  	_ =	shalt  }
0x5f: {  	_ =	shalt  }
0x60: {  	_ =	shalt  }
0x61: {  	_ =	shalt  }
0x62: {  	_ =	shalt  }
0x63: {  	_ =	shalt  }
0x64: {  	_ =	shalt  }
0x65: {  	_ =	shalt  }
0x66: {  	_ =	shalt  }
0x67: {  	_ =	shalt  }
0x68: {  	_ =	shalt  }
0x69: {  	_ =	shalt  }
0x6a: {  	_ =	shalt  }
0x6b: {  	_ =	shalt  }
0x6c: {  	_ =	shalt  }
0x6d: {  	_ =	shalt  }
0x6e: {  	_ =	shalt  }
0x6f: {  	_ =	shalt  }
0x70: {  	_ =	shalt  }
0x71: {  	_ =	shalt  }
0x72: {  	_ =	shalt  }
0x73: {  	_ =	shalt  }
0x74: {  	_ =	shalt  }
0x75: {  	_ =	shalt  }
0x76: {  	_ =	shalt  }
0x77: {  	_ =	shalt  }
0x78: {  	_ =	shalt  }
0x79: {  	_ =	shalt  }
0x7a: {  	_ =	shalt  }
0x7b: {  	_ =	shalt  }
0x7c: {  	_ =	shalt  }
0x7d: {  	_ =	shalt  }
0x7e: {  	_ =	shalt  }
0x7f: {  	_ =	shalt  }
0x80: {  	_ =	shalt  }
0x81: {  	_ =	shalt  }
0x82: {  	_ =	shalt  }
0x83: {  	_ =	shalt  }
0x84: {  	_ =	shalt  }
0x85: {  	_ =	shalt  }
0x86: {  	_ =	shalt  }
0x87: {  	_ =	shalt  }
.Lfunc_end0:
.L_simem_size_0:
called_computation.2_lowered:
.L_overlay_start_0:
0x88: {  	s2 =	sld [smem:$0x3FD9]  }
0x89: {  	s3 =	sld [smem:$0x3FFE];
	_ =	sdelay $0x1  }
0x8a: {  	s1 =	srdreg.scid  }
0x8b: {  	s0 =	sand.u32 $0x1, s1  }
0x8c: {  	s16 =	sshll.u32 s0, $0xA;
	s2 =	sadd.s32 s3, s2  }
0x8d: {  	s2 =	sadd.s32 s2, s16  }
0x8e: {  	[smem:$0x3FC0] =	sst s2  }
0x8f: {  	_ = 	snop  }
0x90: {  	(tm) =	ssettm $0x1  }
0x91: {  	s17 =	sld [smem:$0x3FFB];
	_ =	sdelay $0x3  }
0x92: {  	_ =	strace s17  }
0x93: {  	s2 =	sld [smem:$0x3FFC];
	_ =	sdelay $0x3  }
0x94: {  	_ =	strace s2  }
0x95: {  	s2 =	sld [smem:$0x3FFD];
	_ =	sdelay $0x3  }
0x96: {  	_ =	strace s2  }
0x97: {  	_ =	strace $0x8FFFFFFF  }
0x98: {  	s18 =	sld [smem:$0x3FDB];
	_ =	sdelay $0x1  }
0x99: {  	s19 =	simm.s32 $_scs_section_size  }
0x9a: {  	s4 =	simm.s32 $_size__tile_overlayer_lowered;
	s5 =	simm.s32 $_tile_overlayer_lowered  }
0x9b: {  	s22 =	simm.s32 $0x1BFF;
	s21 =	sshll.u32 s5, $0x1;
	s2 =	sadd.s32 s19, s18  }
0x9c: {  	s6 =	simm.s32 $0x0;
	s20 =	sshll.u32 s4, $0x1;
	s4 =	sadd.s32 s21, s2  }
0x9d: {  	[timem:s6], [sflag:s22] =	dma.local [hbm:s4], s20  }
0x9e: {  	_ =	swait.ge [sflag:s22], s20  }
0x9f: {  	s3 =	ssub.s32 $0x0, s20;
	[sflag:s22] =	ssyncset.done $0x0  }
0xa0: {  	[sflag:s22] =	ssyncadd.s32 s3;
	_ =	sdelay $0x1  }
0xa1: {  	s23 =	simm.s32 $0x1B8B  }
0xa2: {  	_ =	swait.ge [sflag:s23], $0x1  }
0xa3: {  	[sflag:s23] =	ssyncset.done $0x0  }
0xa4: {  	s25 =	simm.s32 $0x1B8E;
	s24 =	sld [smem:$0x3FFE];
	[sflag:s23] =	ssyncadd.s32 $0xFFFFFFFF  }
0xa5: {  	s26 =	simm.s32 $execute0_lowered;
	[smem:$0x3FD2] =	sst s25  }
0xa6: {  	s4 =	sshll.u32 s26, $0x1;
	_ =	strace $0x8000004C;
	[dreg:$0x1] =	wrdreg $0xFFFFFFFF  }
0xa7: {  	s28 =	simm.s32 $_size_execute0_lowered;
	s2 =	sadd.s32 s2, s4;
	[dreg:$0x0] =	wrdreg $0x0  }
0xa8: {  	s4 =	sshll.u32 s28, $0x1;
	[dreg:$0x2] =	wrdreg s2  }
0xa9: {  	[dreg:$0x3] =	wrdreg s4  }
0xaa: {  	[dreg:$0x4] =	wrdreg $0xC0  }
0xab: {  	_ =	task [dreg:s6], $0x5FFFF  }
0xac: {  	[dreg:$0x1] =	wrdreg $0xFFFFFFFF  }
0xad: {  	[dreg:$0x0] =	wrdreg $0x60  }
0xae: {  	[dreg:$0x2] =	wrdreg s24  }
0xaf: {  	[dreg:$0x3] =	wrdreg $0x9A800  }
0xb0: {  	[dreg:$0x4] =	wrdreg $0x9  }
0xb1: {  	_ =	task.clear_ibuf [dreg:s6], $0x5FFFF;
	_ =	strace $0x9000004C  }
0xb2: {  	s29 =	simm.s32 $0x9;
	_ =	strace $0x8000004E  }
0xb3: {  	_ =	swait.ge [sflag:s29], $0x1  }
0xb4: {  	[sflag:s29] =	ssyncadd.s32 $0xFFFFFFFF  }
0xb5: {  	_ =	strace $0x9000004E  }
0xb6: {  	_ =	sfence  }
0xb7: {  	s30 =	sld [smem:$0x0];
	_ =	sdelay $0x2  }
0xb8: {  	s31 =	sshll.u32 s1, $0xD;
	s1 =	sshrl.u32 s1, $0x2  }
0xb9: {  	s3 =	sand.u32 $0x4000, s31;
	s1 =	sadd.s32 s1, s30  }
0xba: {  	s0 =	sor.u32 s3, s0;
	s1 =	sshll.u32 s1, $0x11  }
0xbb: {  	s0 =	sor.u32 s1, s0  }
0xbc: {  	s0 =	sadd.s32 $0x8F2B, s0  }
0xbd: {  	[sflag:s0] =	ssyncadd.remote.s32 $0x1  }
0xbe: {  	_ =	sfence.sel $0xFFFF  }
0xbf: {  	[dreg:$0x0] =	wrdreg $0xFFFFFFFF;
	(pc) =	sbr.abs _section_cstart, $3  }
0xc0: {  	[dreg:$0x1] =	wrdreg $0xFFFFFFFF  }
0xc1: {  	_ =	task.clear_ibuf [dreg:s6], $0x2FFFF;
	_ =	strace $0x9FFFFFFF  }
0xc2: {  	(tm) =	ssettm $0x7FFFFFFF  }
0xc3: {  	_ =	shalt  }
tec
execute0_lowered:
.L_overlay_start_1:
0x0: {  	(tag) =	ssettag $0x1  }
0x1: {  	s5 =	rddreg [dreg:$0x0]  }
0x2: {  	s2 =	rddreg [dreg:$0x1];
	s1 =	stileid.u32  }
0x3: {  	s0 =	rddreg [dreg:$0x2];
	s4 =	srdreg.scid;
	s3 =	simm.s32 $0x0  }
0x4: {  	s13 =	simm.s32 $0x80;
	s14 =	simm.s32 $0x6300;
	s6 =	smul.u32 $0x62, s1  }
0x5: {  	s15 =	simm.s32 $0x1;
	s16 =	simm.s32 $0x6B00;
	s7 =	smul.u32 $0x3E, s1  }
0x6: {  	s19 =	simm.s32 $0x0;
	s8 =	sand.u32 $0x1, s4;
	s9 =	smul.u32 $0x2780, s1  }
0x7: {  	[smem:$0x7FF] =	sst s3;
	s4 =	sadd.s32 $0x16E00, s5;
	s17 =	sshll.u32 s1, $0x6  }
0x8: {  	s10 =	smul.u32 $0x27800, s8;
	_ =	strace $0x8000004D;
	p0 =	seq.s32 s8, $0x0  }
0x9: {  	s8 =	ssub.s32 $0x2, s8;
	s17 =	sor.u32 $0x1C02, s17;
	s7 =	sadd.s32 $0x620, s7  }
0xa: {  	s31 =	sshrl.u32 s8, $0x1;
	s7 =	smov.u32 @p0 s6;
	s29 =	sadd.s32 s9, s10  }
0xb: {  	s12 =	ssub.s32 s8, s31;
	s7 =	sshll.u32 s7, $0x4;
	s6 =	sshrl.u32 s29, $0x3  }
0xc: {  	s10 =	smax.u32 s12, $0x1;
	s12 =	simm.s32 $0x2;
	s30 =	sadd.s32 s7, s5  }
0xd: {  	s11 =	sadd.s32 s6, s5;
	s5 =	sadd.s32 s9, s2;
	s6 =	simm.s32 $0x31  }
0xe: {  	s7 =	sadd.s32 $0x20C00, s30;
	s8 =	sadd.s32 $0xC600, s30;
	s6 =	simm.s32 @!p0 $0x1F  }
0xf: {  	v0 =	vimm.f32 $0.0e+00;
	s9 =	sadd.s32 $0x1E00, s11;
	s11 =	simm.s32 $0x7300;
	s18 =	sshrl.u32 s5, $0x3  }
.LBB2_1:
0x10: {  	s20 =	simm.s32 $0x40;
	s21 =	simm.s32 $0x0  }
.LBB2_2:
0x11: {  	p0 =	sne.s32 s20, $0x9DC0;
	[tilespmem:s21+$0x7300] =	vst v0;
	s21 =	smov.u32 s20;
	s20 =	sadd.s32 $0x40, s20  }
.Ltmp0:
0x12: {  	(pc) =	sbr.rel @p0 .LBB2_2-.Ltmp0, $2  }
0x13: {  	_ =	sdelay $0x2  }
0x14: {  	s21 =	sshra.s32 s21, $0x2  }
0x15: {  	[tilespmem:s21+$0x7300] =	vst v0  }
0x16: {  	[spmem:s5] =	stream.linear.scatter [tilespmem:s11], [sflag:$0x2], $0x2780, $0x38;
	[tilespmem:$0xC200] =	vst v63  }
0x17: {  	_ =	swait.ge [sflag:s12], $0x2780  }
0x18: {  	[sflag:s12] =	ssyncset.done $0x0  }
0x19: {  	[sflag:s12] =	ssyncadd.s32 $0xFFFFD880  }
0x1a: {  	[tilespmem:s3], [sflag:$0x2] =	stream.linear.gather [hbm4b:s7+s3], $0x3180, $0x38;
	[tilespmem:$0xC200] =	vst v63  }
0x1b: {  	_ =	swait.ge [sflag:s12], $0x3180  }
0x1c: {  	[sflag:s12] =	ssyncset.done $0x0  }
0x1d: {  	s20 =	simm.s32 $0x3180;
	[sflag:s12] =	ssyncadd.s32 $0xFFFFCE80  }
0x1e: {  	[tilespmem:s20], [sflag:$0x2] =	stream.linear.gather [hbm4b:s8+s3], $0x3180, $0x38;
	[tilespmem:$0xC200] =	vst v63  }
0x1f: {  	_ =	swait.ge [sflag:s12], $0x3180  }
0x20: {  	[sflag:s12] =	ssyncset.done $0x0  }
0x21: {  	[sflag:s12] =	ssyncadd.s32 $0xFFFFCE80  }
0x22: {  	[bflag:$0x0] =	sbarrier.arrive $0xFFFF  }
0x23: {  	[tilespmem:s14], [sflag:$0x1] =	stream.indirect.gather [hbm4b:s4+s13], $0x10, s3, s13, $0xb8;
	[tilespmem:$0xC200] =	vst v63  }
0x24: {  	_ =	swait.ge [sflag:s15], $0x800  }
0x25: {  	[sflag:s15] =	ssyncset.done $0x0  }
0x26: {  	s31 =	simm.s32 $0x80;
	[sflag:s15] =	ssyncadd.s32 $0xFFFFF800  }
0x27: {  	[tilespmem:s16], [sflag:$0x1] =	stream.indirect.gather [hbm4b:s4+s13], $0x10, s31, s13, $0xb8;
	[tilespmem:$0xC200] =	vst v63  }
0x28: {  	_ = 	snop  }
0x29: {  	[spmem:s2] =	stream.indirect.scatter.add.f32 [tilespmem:s14], [sflag:$0x2], $0x10, s20, s13, $0xb8;
	[tilespmem:$0xC200] =	vst v63  }
0x2a: {  	_ =	swait.ge [sflag:s12], $0x800  }
0x2b: {  	[sflag:s12] =	ssyncset.done $0x0  }
0x2c: {  	[sflag:s12] =	ssyncadd.s32 $0xFFFFF800  }
0x2d: {  	_ =	swait.ge [sflag:s15], $0x800  }
0x2e: {  	[sflag:s15] =	ssyncset.done $0x0  }
0x2f: {  	s21 =	simm.s32 $0x100;
	p0 =	sne.s32 s6, $0x1;
	[sflag:s15] =	ssyncadd.s32 $0xFFFFF800  }
0x30: {  	[tilespmem:s14], [sflag:$0x1] =	stream.indirect.gather [hbm4b:s4+s13], $0x10, s21, s13, $0xb8;
	[tilespmem:$0xC200] =	vst v63  }
.Ltmp1:
0x31: {  	_ = 	snop;
	(pc) =	sbr.rel @!p0 .LBB2_5-.Ltmp1, $4  }
0x32: {  	s22 =	simm.s32 $0x3200  }
0x33: {  	[spmem:s2] =	stream.indirect.scatter.add.f32 [tilespmem:s16], [sflag:$0x2], $0x10, s22, s13, $0xb8;
	[tilespmem:$0xC200] =	vst v63  }
0x34: {  	_ =	swait.ge [sflag:s12], $0x800  }
0x35: {  	s22 =	sadd.s32 $0xFFFFFFFF, s6;
	[sflag:s12] =	ssyncset.done $0x0  }
.LBB2_4:
0x36: {  	[sflag:s12] =	ssyncadd.s32 $0xFFFFF800;
	s21 =	sadd.s32 $0x100, s21;
	s20 =	sadd.s32 $0x100, s20  }
0x37: {  	p0 =	sne.s32 s22, $0x1;
	s22 =	sadd.s32 $0xFFFFFFFF, s22  }
0x38: {  	_ =	swait.ge [sflag:s15], $0x800  }
0x39: {  	[sflag:s15] =	ssyncset.done $0x0  }
0x3a: {  	s23 =	sadd.s32 $0xFFFFFF80, s21;
	[sflag:s15] =	ssyncadd.s32 $0xFFFFF800  }
0x3b: {  	[tilespmem:s16], [sflag:$0x1] =	stream.indirect.gather [hbm4b:s4+s13], $0x10, s23, s13, $0xb8;
	[tilespmem:$0xC200] =	vst v63  }
0x3c: {  	_ = 	snop  }
0x3d: {  	[spmem:s2] =	stream.indirect.scatter.add.f32 [tilespmem:s14], [sflag:$0x2], $0x10, s20, s13, $0xb8;
	[tilespmem:$0xC200] =	vst v63  }
0x3e: {  	_ =	swait.ge [sflag:s12], $0x800  }
0x3f: {  	[sflag:s12] =	ssyncset.done $0x0  }
0x40: {  	[sflag:s12] =	ssyncadd.s32 $0xFFFFF800  }
0x41: {  	_ =	swait.ge [sflag:s15], $0x800  }
0x42: {  	[sflag:s15] =	ssyncset.done $0x0  }
0x43: {  	[sflag:s15] =	ssyncadd.s32 $0xFFFFF800  }
0x44: {  	[tilespmem:s14], [sflag:$0x1] =	stream.indirect.gather [hbm4b:s4+s13], $0x10, s21, s13, $0xb8;
	[tilespmem:$0xC200] =	vst v63  }
.Ltmp2:
0x45: {  	_ = 	snop;
	(pc) =	sbr.rel @p0 .LBB2_4-.Ltmp2, $4  }
0x46: {  	s23 =	sadd.s32 $0x80, s20  }
0x47: {  	[spmem:s2] =	stream.indirect.scatter.add.f32 [tilespmem:s16], [sflag:$0x2], $0x10, s23, s13, $0xb8;
	[tilespmem:$0xC200] =	vst v63  }
0x48: {  	_ =	swait.ge [sflag:s12], $0x800  }
0x49: {  	[sflag:s12] =	ssyncset.done $0x0  }
.LBB2_5:
0x4a: {  	[sflag:s12] =	ssyncadd.s32 $0xFFFFF800  }
0x4b: {  	_ =	swait.ge [sflag:s15], $0x800  }
0x4c: {  	s19 =	sadd.s32 $0x1, s19;
	[sflag:s15] =	ssyncset.done $0x0  }
0x4d: {  	p0 =	sne.s32 s19, s10;
	[sflag:s15] =	ssyncadd.s32 $0xFFFFF800  }
.Ltmp3:
0x4e: {  	[bflag:$0x0] =	sbarrier.arrive $0xFFFF;
	(pc) =	sbr.rel @p0 .LBB2_1-.Ltmp3, $4  }
0x4f: {  	[hbm:s9], [sflag:s17] =	dma.local [spmem:s18], $0x4F0  }
0x50: {  	_ =	swait.ge [sflag:s12], $0x4F0  }
0x51: {  	[sflag:s12] =	ssyncset.done $0x0  }
0x52: {  	[sflag:s12] =	ssyncadd.s32 $0xFFFFFB10  }
0x53: {  	_ =	sfence.sel $0x180000  }
0x54: {  	[bflag:$0x0] =	sbarrier.arrive $0xFFFF  }
0x55: {  	p0 =	sne.s32 s1, $0x0;
	_ =	strace $0x9000004D  }
0x56: {  	s0 =	sadd.s32 @!p0 $0x100000, s0;
	[bflag:$0x2] =	sbarrier.arrive $0xFFFF  }
0x57: {  	[sflag:s0] =	ssyncadd.tile.s32 @!p0 $0x1;
	_ =	shalt  }
.Lfunc_end2:
_tile_overlayer_lowered:
.L_overlay_start_2:
0x58: {  	(tag) =	ssettag $0x2  }
0x59: {  	s0 =	rddreg [dreg:$0x0];
	s2 =	stileid.u32  }
0x5a: {  	s1 =	rddreg [dreg:$0x1];
	p0 =	sne.s32 s2, $0x0  }
0x5b: {  	s3 =	rddreg [dreg:$0x2];
	[bflag:$0x3] =	sbarrier.arrive $0xFFFF;
	s2 =	simm.s32 @!p0 $0x1C02  }
0x5c: {  	[timem:s3], [sflag:s2] =	dma.local @!p0 [hbm:s0], s1  }
0x5d: {  	s0 =	simm.s32 @!p0 $0x2  }
0x5e: {  	_ =	swait.ge @!p0 [sflag:s0], s1  }
0x5f: {  	s1 =	ssub.s32 @!p0 $0x0, s1;
	[sflag:s0] =	ssyncset.done @!p0 $0x0  }
0x60: {  	[sflag:s0] =	ssyncadd.s32 @!p0 s1  }
0x61: {  	[bflag:$0x3] =	sbarrier.arrive $0xFFFF  }
0x62: {  	_ =	shalt  }

// kernel: kernel.8.cloned.1.call-start
scs
__scs_entry_jumppad:
0x0: {  	(pc) =	sbr.rel $0x88, $3  }
0x1: {  	(tag) =	ssettag $0x0;
	lr =	simm.s32 $0x1  }
0x2: {  	[smem:$0x3F99] =	sst lr;
	_ =	strace $0xD0000000  }
0x3: {  	_ = 	snop  }
0x4: {  	_ = 	snop  }
0x5: {  	_ = 	snop  }
0x6: {  	_ = 	snop  }
0x7: {  	_ = 	snop  }
__scs_overlays_trampoline_lowered:
0x8: {  	[smem:$0x3FA8] =	sst s0  }
0x9: {  	[smem:$0x3FA9] =	sst s1  }
0xa: {  	[smem:$0x3FAA] =	sst s2  }
0xb: {  	[smem:$0x3FAB] =	sst s3  }
0xc: {  	[smem:$0x3FAC] =	sst s4  }
0xd: {  	[smem:$0x3FAD] =	sst s5  }
0xe: {  	[smem:$0x3FAE] =	sst s6  }
0xf: {  	[smem:$0x3FAF] =	sst s7  }
0x10: {  	[smem:$0x3FB0] =	sst s8  }
0x11: {  	[smem:$0x3FB1] =	sst s9;
	s0 =	simm.s32 @!p0 $0x0  }
0x12: {  	s1 =	sld [smem:$0x3F97];
	s0 =	simm.s32 @p0 $0x1  }
0x13: {  	[smem:$0x3FB2] =	sst s0;
	s0 =	simm.s32 @!p1 $0x0  }
0x14: {  	s2 =	sld [smem:$0x3F96];
	s0 =	simm.s32 @p1 $0x1  }
0x15: {  	[smem:$0x3FB3] =	sst s0;
	s0 =	simm.s32 @!p2 $0x0  }
0x16: {  	s3 =	sld [smem:$0x3FDB];
	s0 =	simm.s32 @p2 $0x1  }
0x17: {  	s4 =	simm.s32 $0x1BF5;
	[smem:$0x3FB5] =	sst s0  }
0x18: {  	s0 =	sld [smem:$0x3F98];
	_ =	swait.ge [sflag:s4], $0x0  }
0x19: {  	s7 =	sld [smem:$0x3F99]  }
0x1a: {  	s8 =	sadd.s32 $0xFFFFE003, lr  }
0x1b: {  	s9 =	sadd.s32 $0xFFFFFEF7, lr;
	s5 =	simm.s32 $0xFFFFFFFF;
	p2 =	slt.u32 s8, $0xFFFFF086  }
0x1c: {  	p1 =	slt.u32 s9, $0xF7A;
	s5 =	simm.s32 @!p2 $0x0  }
0x1d: {  	s5 =	simm.s32 @p1 $0x1;
	p0 =	seq.s32 s7, s2  }
0x1e: {  	s7 =	smul.u32 @!p0 $0xF7A, s2;
	p2 =	seq.s32 @!p0 s5, $0x0  }
0x1f: {  	s9 =	smul.u32 $0xF7A, s1;
	s8 =	simm.s32 @!p0 $0x1BF5;
	p2 =	por !p2, p0  }
0x20: {  	[sflag:s8] =	ssyncset.s32 @!p0 $0xFFFFF086;
	s6 =	sadd.s32 @!p0 s3, s7;
	s7 =	simm.s32 @!p0 $0x108  }
0x21: {  	s3 =	sadd.s32 s3, s9;
	s6 =	sadd.s32 @!p0 $0x88, s6;
	s7 =	simm.s32 @p2 $0x1082  }
0x22: {  	[simem:s7], [sflag:s8] =	dma.local @!p0 [hbm:s6], $0xF7A  }
0x23: {  	s9 =	sor.u32 $0xD0000000, s2;
	s6 =	simm.s32 $0x108;
	_ =	swait.ge @!p0 [sflag:s8], $0x0  }
0x24: {  	s3 =	sadd.s32 $0x88, s3;
	s6 =	simm.s32 @!p1 $0x1082;
	[sflag:s4] =	ssyncset.s32 $0xFFFFF086  }
0x25: {  	[simem:s6], [sflag:s4] =	dma.local [hbm:s3], $0xF7A  }
0x26: {  	[smem:$0x3F99] =	sst s1;
	(tag) =	ssettag s2;
	_ =	strace s9  }
0x27: {  	s1 =	sld [smem:$0x3FA9]  }
0x28: {  	s2 =	sld [smem:$0x3FAA]  }
0x29: {  	s4 =	sld [smem:$0x3FAC]  }
0x2a: {  	p0 =	seq.s32 s5, $0x0;
	s5 =	sld [smem:$0x3FAD]  }
0x2b: {  	s6 =	sld [smem:$0x3FAE]  }
0x2c: {  	s7 =	sld [smem:$0x3FAF]  }
0x2d: {  	s3 =	simm.s32 $0x108;
	s8 =	sld [smem:$0x3FB0]  }
0x2e: {  	s3 =	simm.s32 @!p0 $0x1082;
	s9 =	sld [smem:$0x3FB1]  }
0x2f: {  	lr =	sadd.s32 s0, s3;
	s0 =	sld [smem:$0x3FA8]  }
0x30: {  	s3 =	sld [smem:$0x3FAB]  }
0x31: {  	[smem:$0x3FB4] =	sst s10  }
0x32: {  	s10 =	sld [smem:$0x3FB2];
	_ =	sdelay $0x3  }
0x33: {  	p0 =	seq.s32 s10, $0x1;
	s10 =	sld [smem:$0x3FB4];
	_ =	sdelay $0x3  }
0x34: {  	[smem:$0x3FB4] =	sst s10  }
0x35: {  	s10 =	sld [smem:$0x3FB3];
	_ =	sdelay $0x3  }
0x36: {  	p1 =	seq.s32 s10, $0x1;
	s10 =	sld [smem:$0x3FB4];
	_ =	sdelay $0x3  }
0x37: {  	[smem:$0x3FB4] =	sst s10  }
0x38: {  	s10 =	sld [smem:$0x3FB5]  }
0x39: {  	_ = 	snop;
	(pc) =	sbr.ind lr, $3  }
0x3a: {  	_ = 	snop  }
0x3b: {  	_ = 	snop  }
0x3c: {  	p2 =	seq.s32 s10, $0x1;
	s10 =	sld [smem:$0x3FB4]  }
0x3d: {  	_ =	shalt  }
0x3e: {  	_ =	shalt  }
0x3f: {  	_ =	shalt  }
0x40: {  	_ =	shalt  }
0x41: {  	_ =	shalt  }
0x42: {  	_ =	shalt  }
0x43: {  	_ =	shalt  }
0x44: {  	_ =	shalt  }
0x45: {  	_ =	shalt  }
0x46: {  	_ =	shalt  }
0x47: {  	_ =	shalt  }
0x48: {  	_ =	shalt  }
0x49: {  	_ =	shalt  }
0x4a: {  	_ =	shalt  }
0x4b: {  	_ =	shalt  }
0x4c: {  	_ =	shalt  }
0x4d: {  	_ =	shalt  }
0x4e: {  	_ =	shalt  }
0x4f: {  	_ =	shalt  }
0x50: {  	_ =	shalt  }
0x51: {  	_ =	shalt  }
0x52: {  	_ =	shalt  }
0x53: {  	_ =	shalt  }
0x54: {  	_ =	shalt  }
0x55: {  	_ =	shalt  }
0x56: {  	_ =	shalt  }
0x57: {  	_ =	shalt  }
0x58: {  	_ =	shalt  }
0x59: {  	_ =	shalt  }
0x5a: {  	_ =	shalt  }
0x5b: {  	_ =	shalt  }
0x5c: {  	_ =	shalt  }
0x5d: {  	_ =	shalt  }
0x5e: {  	_ =	shalt  }
0x5f: {  	_ =	shalt  }
0x60: {  	_ =	shalt  }
0x61: {  	_ =	shalt  }
0x62: {  	_ =	shalt  }
0x63: {  	_ =	shalt  }
0x64: {  	_ =	shalt  }
0x65: {  	_ =	shalt  }
0x66: {  	_ =	shalt  }
0x67: {  	_ =	shalt  }
0x68: {  	_ =	shalt  }
0x69: {  	_ =	shalt  }
0x6a: {  	_ =	shalt  }
0x6b: {  	_ =	shalt  }
0x6c: {  	_ =	shalt  }
0x6d: {  	_ =	shalt  }
0x6e: {  	_ =	shalt  }
0x6f: {  	_ =	shalt  }
0x70: {  	_ =	shalt  }
0x71: {  	_ =	shalt  }
0x72: {  	_ =	shalt  }
0x73: {  	_ =	shalt  }
0x74: {  	_ =	shalt  }
0x75: {  	_ =	shalt  }
0x76: {  	_ =	shalt  }
0x77: {  	_ =	shalt  }
0x78: {  	_ =	shalt  }
0x79: {  	_ =	shalt  }
0x7a: {  	_ =	shalt  }
0x7b: {  	_ =	shalt  }
0x7c: {  	_ =	shalt  }
0x7d: {  	_ =	shalt  }
0x7e: {  	_ =	shalt  }
0x7f: {  	_ =	shalt  }
0x80: {  	_ =	shalt  }
0x81: {  	_ =	shalt  }
0x82: {  	_ =	shalt  }
0x83: {  	_ =	shalt  }
0x84: {  	_ =	shalt  }
0x85: {  	_ =	shalt  }
0x86: {  	_ =	shalt  }
0x87: {  	_ =	shalt  }
.Lfunc_end0:
.L_simem_size_0:
called_computation_lowered:
.L_overlay_start_0:
0x88: {  	s2 =	sld [smem:$0x3FD9]  }
0x89: {  	s3 =	sld [smem:$0x3FFE];
	_ =	sdelay $0x1  }
0x8a: {  	s1 =	srdreg.scid  }
0x8b: {  	s0 =	sand.u32 $0x1, s1  }
0x8c: {  	s16 =	sshll.u32 s0, $0xA;
	s2 =	sadd.s32 s3, s2  }
0x8d: {  	s2 =	sadd.s32 s2, s16  }
0x8e: {  	[smem:$0x3FC0] =	sst s2  }
0x8f: {  	_ = 	snop  }
0x90: {  	(tm) =	ssettm $0x1  }
0x91: {  	s17 =	sld [smem:$0x3FFB];
	_ =	sdelay $0x3  }
0x92: {  	_ =	strace s17  }
0x93: {  	s2 =	sld [smem:$0x3FFC];
	_ =	sdelay $0x3  }
0x94: {  	_ =	strace s2  }
0x95: {  	s2 =	sld [smem:$0x3FFD];
	_ =	sdelay $0x3  }
0x96: {  	_ =	strace s2  }
0x97: {  	_ =	strace $0x8FFFFFFF  }
0x98: {  	s18 =	sld [smem:$0x3FDB];
	_ =	sdelay $0x1  }
0x99: {  	s19 =	simm.s32 $_scs_section_size  }
0x9a: {  	s4 =	simm.s32 $_size__tile_overlayer_lowered;
	s5 =	simm.s32 $_tile_overlayer_lowered  }
0x9b: {  	s22 =	simm.s32 $0x1BFF;
	s21 =	sshll.u32 s5, $0x1;
	s2 =	sadd.s32 s19, s18  }
0x9c: {  	s6 =	simm.s32 $0x0;
	s20 =	sshll.u32 s4, $0x1;
	s4 =	sadd.s32 s21, s2  }
0x9d: {  	[timem:s6], [sflag:s22] =	dma.local [hbm:s4], s20  }
0x9e: {  	_ =	swait.ge [sflag:s22], s20  }
0x9f: {  	s3 =	ssub.s32 $0x0, s20;
	[sflag:s22] =	ssyncset.done $0x0  }
0xa0: {  	[sflag:s22] =	ssyncadd.s32 s3;
	_ =	sdelay $0x1  }
0xa1: {  	s23 =	simm.s32 $0x1B8B  }
0xa2: {  	_ =	swait.ge [sflag:s23], $0x1  }
0xa3: {  	[sflag:s23] =	ssyncset.done $0x0  }
0xa4: {  	s25 =	simm.s32 $0x1B8E;
	s24 =	sld [smem:$0x3FFE];
	[sflag:s23] =	ssyncadd.s32 $0xFFFFFFFF  }
0xa5: {  	s26 =	simm.s32 $execute0_lowered;
	[smem:$0x3FD2] =	sst s25  }
0xa6: {  	s4 =	sshll.u32 s26, $0x1;
	_ =	strace $0x80000046;
	[dreg:$0x1] =	wrdreg $0xFFFFFFFF  }
0xa7: {  	s28 =	simm.s32 $_size_execute0_lowered;
	s2 =	sadd.s32 s2, s4;
	[dreg:$0x0] =	wrdreg $0x0  }
0xa8: {  	s4 =	sshll.u32 s28, $0x1;
	[dreg:$0x2] =	wrdreg s2  }
0xa9: {  	[dreg:$0x3] =	wrdreg s4  }
0xaa: {  	[dreg:$0x4] =	wrdreg $0xC0  }
0xab: {  	_ =	task [dreg:s6], $0x5FFFF  }
0xac: {  	[dreg:$0x1] =	wrdreg $0xFFFFFFFF  }
0xad: {  	[dreg:$0x0] =	wrdreg $0x60  }
0xae: {  	[dreg:$0x2] =	wrdreg s24  }
0xaf: {  	[dreg:$0x3] =	wrdreg $0x9  }
0xb0: {  	_ =	task.clear_ibuf [dreg:s6], $0x4FFFF;
	_ =	strace $0x90000046  }
0xb1: {  	s29 =	simm.s32 $0x9;
	_ =	strace $0x80000048  }
0xb2: {  	_ =	swait.ge [sflag:s29], $0x1  }
0xb3: {  	[sflag:s29] =	ssyncadd.s32 $0xFFFFFFFF  }
0xb4: {  	_ =	strace $0x90000048  }
0xb5: {  	_ =	sfence  }
0xb6: {  	s30 =	sld [smem:$0x0];
	_ =	sdelay $0x2  }
0xb7: {  	s31 =	sshll.u32 s1, $0xD;
	s1 =	sshrl.u32 s1, $0x2  }
0xb8: {  	s3 =	sand.u32 $0x4000, s31;
	s1 =	sadd.s32 s1, s30  }
0xb9: {  	s0 =	sor.u32 s3, s0;
	s1 =	sshll.u32 s1, $0x11  }
0xba: {  	s0 =	sor.u32 s1, s0  }
0xbb: {  	s0 =	sadd.s32 $0x8F2B, s0  }
0xbc: {  	[sflag:s0] =	ssyncadd.remote.s32 $0x1  }
0xbd: {  	_ =	sfence.sel $0xFFFF  }
0xbe: {  	[dreg:$0x0] =	wrdreg $0xFFFFFFFF;
	(pc) =	sbr.abs _section_cstart, $3  }
0xbf: {  	[dreg:$0x1] =	wrdreg $0xFFFFFFFF  }
0xc0: {  	_ =	task.clear_ibuf [dreg:s6], $0x2FFFF;
	_ =	strace $0x9FFFFFFF  }
0xc1: {  	(tm) =	ssettm $0x7FFFFFFF  }
tec
execute0_lowered:
.L_overlay_start_1:
0x0: {  	(tag) =	ssettag $0x1  }
0x1: {  	s1 =	srdreg.scid;
	s0 =	stileid.u32  }
0x2: {  	s3 =	rddreg [dreg:$0x0];
	s8 =	simm.s32 $0x80;
	s9 =	simm.s32 $0x400  }
0x3: {  	s4 =	sand.u32 $0x1, s1;
	s2 =	sshll.u32 s0, $0x1;
	s1 =	rddreg [dreg:$0x1]  }
0x4: {  	s6 =	sshrl.u32 s0, $0x2;
	s5 =	sor.u32 s4, s2;
	s2 =	simm.s32 $0x0  }
0x5: {  	s6 =	smul.u32 $0x13C00, s6;
	s4 =	ssub.s32 $0x2, s4;
	s7 =	sshll.u32 s5, $0x7  }
0x6: {  	[smem:$0x7FF] =	sst s2;
	s5 =	smul.u32 $0x500, s5;
	s7 =	sand.u32 $0x380, s7  }
0x7: {  	s31 =	sshrl.u32 s4, $0x1;
	_ =	strace $0x80000047;
	s6 =	sor.u32 s6, s7  }
0x8: {  	s5 =	sadd.s32 s5, s3;
	s7 =	ssub.s32 s4, s31;
	s6 =	sshrl.u32 s6, $0x3  }
0x9: {  	s6 =	sadd.s32 s6, s3;
	s3 =	sadd.s32 $0x1E00, s5;
	s5 =	smax.u32 s7, $0x1  }
0xa: {  	v0 =	vimm.f32 $0.0e+00;
	s7 =	simm.s32 $0x2800;
	s4 =	sadd.s32 $0x16E00, s6;
	s6 =	simm.s32 $0x1  }
.LBB2_1:
0xb: {  	s10 =	simm.s32 $0x40;
	s11 =	simm.s32 $0x0  }
.LBB2_2:
0xc: {  	p0 =	sne.s32 s10, $0x9DC0;
	[tilespmem:s11+$0x2800] =	vst v0;
	s11 =	smov.u32 s10;
	s10 =	sadd.s32 $0x40, s10  }
.Ltmp0:
0xd: {  	(pc) =	sbr.rel @p0 .LBB2_2-.Ltmp0, $2  }
0xe: {  	_ =	sdelay $0x2  }
0xf: {  	s11 =	sshra.s32 s11, $0x2  }
0x10: {  	[tilespmem:s11+$0x2800] =	vst v0;
	s10 =	simm.s32 $0x0  }
0x11: {  	[tilespmem:s10], [sflag:$0x1] =	stream.linear.gather [hbm4b:s3+s10], $0x2800, $0x38;
	[tilespmem:$0x4F80] =	vst v63  }
0x12: {  	_ =	swait.ge [sflag:s6], $0x2800  }
0x13: {  	[sflag:s6] =	ssyncset.done $0x0  }
0x14: {  	[sflag:s6] =	ssyncadd.s32 $0xFFFFD800  }
.LBB2_4:
0x15: {  	s11 =	sand.u32 $0x3FC0, s10  }
0x16: {  	v1 =	vld [tilespmem:s11+$0x0];
	_ =	sdelay $0x4  }
0x17: {  	(xrf1) =	vunique.msk.u32 $0xffff, v1;
	_ =	sdelay $0xd  }
0x18: {  	_, v2, vm0 =	vpop (xrf1);
	_ =	sdelay $0x3  }
0x19: {  	v2 =	vcvt.s32.f32 v2;
	_ =	sdelay $0x1  }
0x1a: {  	[tilespmem:v1+s7+$0x0] =	vst.idx.add.f32.msk vm0, v2  }
0x1b: {  	v1 =	vld [tilespmem:s11+$0x10];
	_ =	sdelay $0x4  }
0x1c: {  	(xrf1) =	vunique.msk.u32 $0xffff, v1;
	_ =	sdelay $0xd  }
0x1d: {  	_, v2, vm0 =	vpop (xrf1);
	_ =	sdelay $0x3  }
0x1e: {  	v2 =	vcvt.s32.f32 v2;
	_ =	sdelay $0x1  }
0x1f: {  	[tilespmem:v1+s7+$0x0] =	vst.idx.add.f32.msk vm0, v2  }
0x20: {  	v1 =	vld [tilespmem:s11+$0x20];
	_ =	sdelay $0x4  }
0x21: {  	(xrf1) =	vunique.msk.u32 $0xffff, v1;
	_ =	sdelay $0xd  }
0x22: {  	_, v2, vm0 =	vpop (xrf1);
	_ =	sdelay $0x3  }
0x23: {  	v2 =	vcvt.s32.f32 v2;
	_ =	sdelay $0x1  }
0x24: {  	[tilespmem:v1+s7+$0x0] =	vst.idx.add.f32.msk vm0, v2  }
0x25: {  	v1 =	vld [tilespmem:s11+$0x30];
	_ =	sdelay $0x4  }
0x26: {  	(xrf1) =	vunique.msk.u32 $0xffff, v1;
	_ =	sdelay $0xd  }
0x27: {  	_, v2, vm0 =	vpop (xrf1)  }
0x28: {  	p0 =	sne.s32 s10, $0x27C0  }
.Ltmp1:
0x29: {  	_ = 	snop;
	(pc) =	sbr.rel @p0 .LBB2_4-.Ltmp1, $3  }
0x2a: {  	_ = 	snop  }
0x2b: {  	v2 =	vcvt.s32.f32 v2;
	_ =	sdelay $0x1  }
0x2c: {  	s10 =	sadd.s32 $0x40, s10;
	[tilespmem:v1+s7+$0x0] =	vst.idx.add.f32.msk vm0, v2  }
0x2d: {  	s2 =	sadd.s32 $0x1, s2  }
0x2e: {  	p0 =	sne.s32 s2, s5  }
.Ltmp2:
0x2f: {  	_ = 	snop;
	(pc) =	sbr.rel @p0 .LBB2_1-.Ltmp2, $4  }
0x30: {  	[hbm4b:s4+s8] =	stream.strided.scatter [tilespmem:s7], [sflag:$0x1], $0x2780, s9, s8, $0x38;
	[tilespmem:$0x4F80] =	vst v63  }
0x31: {  	_ =	swait.ge [sflag:s6], $0x2780  }
0x32: {  	[sflag:s6] =	ssyncset.done $0x0  }
0x33: {  	[sflag:s6] =	ssyncadd.s32 $0xFFFFD880  }
0x34: {  	_ =	sfence.sel $0x180000  }
0x35: {  	[bflag:$0x0] =	sbarrier.arrive $0xFFFF  }
0x36: {  	p0 =	sne.s32 s0, $0x0;
	_ =	strace $0x90000047  }
0x37: {  	s0 =	sadd.s32 @!p0 $0x100000, s1;
	[bflag:$0x2] =	sbarrier.arrive $0xFFFF  }
0x38: {  	[sflag:s0] =	ssyncadd.tile.s32 @!p0 $0x1;
	_ =	shalt  }
.Lfunc_end2:
_tile_overlayer_lowered:
.L_overlay_start_2:
0x39: {  	(tag) =	ssettag $0x2  }
0x3a: {  	s0 =	rddreg [dreg:$0x0];
	s2 =	stileid.u32  }
0x3b: {  	s1 =	rddreg [dreg:$0x1];
	p0 =	sne.s32 s2, $0x0  }
0x3c: {  	s3 =	rddreg [dreg:$0x2];
	[bflag:$0x3] =	sbarrier.arrive $0xFFFF;
	s2 =	simm.s32 @!p0 $0x1C01  }
0x3d: {  	[timem:s3], [sflag:s2] =	dma.local @!p0 [hbm:s0], s1  }
0x3e: {  	s0 =	simm.s32 @!p0 $0x1  }
0x3f: {  	_ =	swait.ge @!p0 [sflag:s0], s1  }
0x40: {  	s1 =	ssub.s32 @!p0 $0x0, s1;
	[sflag:s0] =	ssyncset.done @!p0 $0x0  }
0x41: {  	[sflag:s0] =	ssyncadd.s32 @!p0 s1  }
0x42: {  	[bflag:$0x3] =	sbarrier.arrive $0xFFFF  }
0x43: {  	_ =	shalt  }

</sc_bundles>
